<compile_context>
chip_gen: v7x
topology: tpu7x:2x2x1
jax: 0.10.2.dev20260603
libtpu: 0.0.44.dev20260713+nightly
codegen_flags: <defaults>
</compile_context>

<pallas_src>
import functools

import jax
import jax.numpy as jnp
from jax import lax
from jax.experimental import pallas as pl
from jax.experimental.pallas import tpu as pltpu
from jax.experimental.pallas import tpu_sc as plsc

VOCAB = 1000000
D = 64
B = 16384
W = 20
L = 16
NC = 2
NS = 16
NW = NC * NS
CB = B // NW
NB = 32
NCHUNK = CB // NB
PAIRS = NB * W
IDXROWS = PAIRS // 128

_GATHER_DNUMS = lax.GatherDimensionNumbers(
    offset_dims=(), collapsed_slice_dims=(0,), start_index_map=(0,))


def _shuffle(x, perm):
    return lax.gather(x, perm[:, None], dimension_numbers=_GATHER_DNUMS,
                      slice_sizes=(1,),
                      mode=lax.GatherScatterMode.PROMISE_IN_BOUNDS)


def _sc_body(cidx_hbm, tidx_hbm, nidx_hbm, vtab_hbm, utab_hbm,
             pos_hbm, neg_hbm,
             cidx_v, tidx_v, nidx_v, vrows_v, trows_v, nrows_v,
             pos_v, neg_v, sem):
    c = lax.axis_index("c")
    s = lax.axis_index("s")
    wid = s * NC + c
    iota = lax.iota(jnp.int32, L)

    def chunk_body(ck, _):
        cbase = wid * CB + ck * NB
        pbase = cbase * W

        pltpu.sync_copy(cidx_hbm.at[pl.ds(cbase, NB)], cidx_v)
        pltpu.sync_copy(tidx_hbm.at[pl.ds(pbase, PAIRS)], tidx_v)
        pltpu.sync_copy(nidx_hbm.at[pl.ds(pbase, PAIRS)], nidx_v)

        descs = [pltpu.async_copy(vtab_hbm.at[cidx_v], vrows_v, sem)]
        for j in range(IDXROWS):
            descs.append(pltpu.async_copy(
                utab_hbm.at[tidx_v.at[pl.ds(j * 128, 128)]],
                trows_v.at[pl.ds(j * 128, 128)], sem))
            descs.append(pltpu.async_copy(
                utab_hbm.at[nidx_v.at[pl.ds(j * 128, 128)]],
                nrows_v.at[pl.ds(j * 128, 128)], sem))
        for dsc in descs:
            dsc.wait()

        def center_body(i, carry):
            vs = [vrows_v[i, pl.ds(k * L, L)] for k in range(D // L)]

            def pair_body(w, c2):
                pv, nv = c2
                p = i * W + w
                pacc = trows_v[p, pl.ds(0, L)] * vs[0]
                nacc = nrows_v[p, pl.ds(0, L)] * vs[0]
                for k in range(1, D // L):
                    pacc = pacc + trows_v[p, pl.ds(k * L, L)] * vs[k]
                    nacc = nacc + nrows_v[p, pl.ds(k * L, L)] * vs[k]
                for sh in (8, 4, 2, 1):
                    perm = iota ^ sh
                    pacc = pacc + _shuffle(pacc, perm)
                    nacc = nacc + _shuffle(nacc, perm)
                lane = lax.rem(p, L)
                pv = jnp.where(iota == lane, pacc, pv)
                nv = jnp.where(iota == lane, nacc, nv)

                @pl.when(lane == L - 1)
                def _():
                    gbase = pl.multiple_of(p - (L - 1), L)
                    pos_v[pl.ds(gbase, L)] = pv
                    neg_v[pl.ds(gbase, L)] = nv

                return (pv, nv)

            return lax.fori_loop(0, W, pair_body, carry)

        zeros = jnp.zeros((L,), jnp.float32)
        lax.fori_loop(0, NB, center_body, (zeros, zeros))

        pltpu.sync_copy(pos_v, pos_hbm.at[pl.ds(pbase, PAIRS)])
        pltpu.sync_copy(neg_v, neg_hbm.at[pl.ds(pbase, PAIRS)])
        return 0

    lax.fori_loop(0, NCHUNK, chunk_body, 0)


_sc_scores = functools.partial(
    pl.kernel,
    out_type=(jax.ShapeDtypeStruct((B * W,), jnp.float32),
              jax.ShapeDtypeStruct((B * W,), jnp.float32)),
    mesh=plsc.VectorSubcoreMesh(core_axis_name="c", subcore_axis_name="s"),
    compiler_params=pltpu.CompilerParams(use_tc_tiling_on_sc=False),
    scratch_types=[
        pltpu.VMEM((NB,), jnp.int32),
        pltpu.VMEM((PAIRS,), jnp.int32),
        pltpu.VMEM((PAIRS,), jnp.int32),
        pltpu.VMEM((NB, D), jnp.float32),
        pltpu.VMEM((PAIRS, D), jnp.float32),
        pltpu.VMEM((PAIRS, D), jnp.float32),
        pltpu.VMEM((PAIRS,), jnp.float32),
        pltpu.VMEM((PAIRS,), jnp.float32),
        pltpu.SemaphoreType.DMA,
    ],
)(_sc_body)


def _loss_body(pos_ref, neg_ref, out_ref):
    p = pos_ref[...]
    n = neg_ref[...]
    sp_p = jnp.maximum(-p, 0.0) + jnp.log1p(jnp.exp(-jnp.abs(p)))
    sp_n = jnp.maximum(n, 0.0) + jnp.log1p(jnp.exp(-jnp.abs(n)))
    out_ref[...] = sp_p + sp_n


_ROWS = B * W // 128


def kernel(center_word, target_word, negative_word, emb_v_table, emb_u_table):
    cidx = center_word.reshape(B).astype(jnp.int32)
    tidx = target_word.reshape(B * W).astype(jnp.int32)
    nidx = negative_word.reshape(B * W).astype(jnp.int32)
    pos, neg = _sc_scores(cidx, tidx, nidx, emb_v_table, emb_u_table)
    loss = pl.pallas_call(
        _loss_body,
        out_shape=jax.ShapeDtypeStruct((_ROWS, 128), jnp.float32),
    )(pos.reshape(_ROWS, 128), neg.reshape(_ROWS, 128))
    return loss.reshape(B, W)

# --- scband reference (transcript-rebuilt; emitter-appended) ---
"""Pipeline reference for scband-sgns-89610197664506 (READ-ONLY COPY).

The authoritative reference and input builder live on the scoring server;
editing this copy changes nothing except your own understanding.
"""

import jax, jax.numpy as jnp
import numpy as np

VOCAB = 1000000
EMBED = 64
B = 16384
W = 20

def setup_inputs(seed: int = 0) -> dict:
    key = jax.random.key(seed)
    k1, k2, k3, k4, k5 = jax.random.split(key, 5)
    center_word = jax.random.randint(k1, (B, 1), 0, VOCAB, dtype=jnp.int64 if jax.config.jax_enable_x64 else jnp.int32)
    target_word = jax.random.randint(k2, (B, W), 0, VOCAB, dtype=jnp.int64 if jax.config.jax_enable_x64 else jnp.int32)
    negative_word = jax.random.randint(k3, (B, W), 0, VOCAB, dtype=jnp.int64 if jax.config.jax_enable_x64 else jnp.int32)
    emb_v_table = jax.random.normal(k4, (VOCAB, EMBED), dtype=jnp.float32)
    emb_u_table = jax.random.normal(k5, (VOCAB, EMBED), dtype=jnp.float32)
    return {
        "center_word": center_word,
        "target_word": target_word,
        "negative_word": negative_word,
        "emb_v_table": emb_v_table,
        "emb_u_table": emb_u_table,
    }

def reference(center_word, target_word, negative_word, emb_v_table, emb_u_table):
    # emb_v: [B, 1, d]  (gather from table v)
    emb_v = jnp.take(emb_v_table, center_word, axis=0)
    # emb_u: [B, W, d]  (gather from table u)
    emb_u = jnp.take(emb_u_table, target_word, axis=0)
    # emb_neg: [B, W, d]
    emb_neg = jnp.take(emb_u_table, negative_word, axis=0)
    # pos_score: [B, W] via broadcast mul with [B,1,d]
    pos_score = jnp.sum(emb_v * emb_u, axis=2)
    neg_score = jnp.sum(emb_neg * emb_v, axis=2)
    log_pos = jnp.squeeze(jax.nn.log_sigmoid(pos_score))
    log_neg = jnp.squeeze(jax.nn.log_sigmoid(-1.0 * neg_score))
    loss = log_pos + log_neg
    return -loss

if __name__ == "__main__":
    import jax
    _d = setup_inputs()
    print(jax.jit(kernel)(*tuple(_d.values())))

</pallas_src>

<mosaic_0001>
#map = affine_map<(d0, d1) -> (0)>
#map1 = affine_map<(d0, d1) -> (0, 0)>
module attributes {stable_mosaic.version = 14 : i64} {
  func.func @_sc_body(%arg0: i32, %arg1: i32, %arg2: memref<16384xi32, #tpu.memory_space<hbm>>, %arg3: memref<327680xi32, #tpu.memory_space<hbm>>, %arg4: memref<327680xi32, #tpu.memory_space<hbm>>, %arg5: memref<1000000x64xf32, #tpu.memory_space<hbm>>, %arg6: memref<1000000x64xf32, #tpu.memory_space<hbm>>, %arg7: memref<327680xf32, #tpu.memory_space<hbm>>, %arg8: memref<327680xf32, #tpu.memory_space<hbm>>, %arg9: memref<32xi32, #tpu.memory_space<vmem>>, %arg10: memref<640xi32, #tpu.memory_space<vmem>>, %arg11: memref<640xi32, #tpu.memory_space<vmem>>, %arg12: memref<32x64xf32, #tpu.memory_space<vmem>>, %arg13: memref<640x64xf32, #tpu.memory_space<vmem>>, %arg14: memref<640x64xf32, #tpu.memory_space<vmem>>, %arg15: memref<640xf32, #tpu.memory_space<vmem>>, %arg16: memref<640xf32, #tpu.memory_space<vmem>>, %arg17: memref<!tpu.dma_semaphore, #tpu.memory_space<semaphore_mem>>) attributes {dimension_semantics = [#tpu.dimension_semantics<core_parallel>, #tpu.dimension_semantics<subcore_parallel>], iteration_bounds = array<i64: 2, 16>, scalar_prefetch = 0 : i64, scratch_operands = 9 : i64, tpu.core_type = #tpu.core_type<sc_vector_subcore>, window_params = [{transform_indices = #map}, {transform_indices = #map}, {transform_indices = #map}, {transform_indices = #map1}, {transform_indices = #map1}, {transform_indices = #map}, {transform_indices = #map}]} {
    %mul3A = arith.constant 2 : i32
    %mul3A_0 = arith.muli %arg1, %mul3A : i32
    %add3A = arith.addi %mul3A_0, %arg0 : i32
    %iota3A = tpu.iota {dimensions = array<i32: 0>} : vector<16xi32>
    %scan3A = arith.constant 0 : i32
    %scan3A_1 = arith.constant 0 : i32
    %scan3A_2 = arith.constant 16 : i32
    %scan3A_3 = arith.addi %scan3A_1, %scan3A_2 : i32
    %scan3A_4 = arith.constant 1 : i32
    %scan3A_5 = scf.for %scan3A_7 = %scan3A_1 to %scan3A_3 step %scan3A_4 iter_args(%scan3A_8 = %scan3A) -> (i32)  : i32 {
      %mul3A_9 = arith.constant 512 : i32
      %mul3A_10 = arith.muli %add3A, %mul3A_9 : i32
      %mul3A_11 = arith.constant 32 : i32
      %mul3A_12 = arith.muli %scan3A_7, %mul3A_11 : i32
      %add3A_13 = arith.addi %mul3A_10, %mul3A_12 : i32
      %mul3A_14 = arith.constant 20 : i32
      %mul3A_15 = arith.muli %add3A_13, %mul3A_14 : i32
      "tpu.region"() ({
        %run_scoped3A = tpu.sem_alloc : memref<!tpu.dma_semaphore, #tpu.memory_space<semaphore_mem>>
        %dma_start3A_188 = tpu.memref_slice %arg2[%add3A_13] : memref<16384xi32, #tpu.memory_space<hbm>> -> memref<32xi32, #tpu.memory_space<hbm>>
        %dma_start3A_189 = tpu.memref_slice %arg2[%add3A_13] : memref<16384xi32, #tpu.memory_space<hbm>> -> memref<32xi32, #tpu.memory_space<hbm>>
        tpu.enqueue_dma source(%dma_start3A_189 : memref<32xi32, #tpu.memory_space<hbm>>) target(%arg9 : memref<32xi32, #tpu.memory_space<vmem>>) target_semaphore(%run_scoped3A : memref<!tpu.dma_semaphore, #tpu.memory_space<semaphore_mem>>)
        %dma_wait3A_190 = tpu.memref_slice %arg2[%add3A_13] : memref<16384xi32, #tpu.memory_space<hbm>> -> memref<32xi32, #tpu.memory_space<hbm>>
        %dma_wait3A_191 = tpu.memref_slice %arg2[%add3A_13] : memref<16384xi32, #tpu.memory_space<hbm>> -> memref<32xi32, #tpu.memory_space<hbm>>
        tpu.wait_dma2 semaphore(%run_scoped3A : memref<!tpu.dma_semaphore, #tpu.memory_space<semaphore_mem>>) src(%dma_wait3A_191 : memref<32xi32, #tpu.memory_space<hbm>>) dst(%arg9 : memref<32xi32, #tpu.memory_space<vmem>>)
        tpu.yield
      }) : () -> ()
      "tpu.region"() ({
        %run_scoped3A = tpu.sem_alloc : memref<!tpu.dma_semaphore, #tpu.memory_space<semaphore_mem>>
        %dma_start3A_188 = tpu.memref_slice %arg3[%mul3A_15] : memref<327680xi32, #tpu.memory_space<hbm>> -> memref<640xi32, #tpu.memory_space<hbm>>
        %dma_start3A_189 = tpu.memref_slice %arg3[%mul3A_15] : memref<327680xi32, #tpu.memory_space<hbm>> -> memref<640xi32, #tpu.memory_space<hbm>>
        tpu.enqueue_dma source(%dma_start3A_189 : memref<640xi32, #tpu.memory_space<hbm>>) target(%arg10 : memref<640xi32, #tpu.memory_space<vmem>>) target_semaphore(%run_scoped3A : memref<!tpu.dma_semaphore, #tpu.memory_space<semaphore_mem>>)
        %dma_wait3A_190 = tpu.memref_slice %arg3[%mul3A_15] : memref<327680xi32, #tpu.memory_space<hbm>> -> memref<640xi32, #tpu.memory_space<hbm>>
        %dma_wait3A_191 = tpu.memref_slice %arg3[%mul3A_15] : memref<327680xi32, #tpu.memory_space<hbm>> -> memref<640xi32, #tpu.memory_space<hbm>>
        tpu.wait_dma2 semaphore(%run_scoped3A : memref<!tpu.dma_semaphore, #tpu.memory_space<semaphore_mem>>) src(%dma_wait3A_191 : memref<640xi32, #tpu.memory_space<hbm>>) dst(%arg10 : memref<640xi32, #tpu.memory_space<vmem>>)
        tpu.yield
      }) : () -> ()
      "tpu.region"() ({
        %run_scoped3A = tpu.sem_alloc : memref<!tpu.dma_semaphore, #tpu.memory_space<semaphore_mem>>
        %dma_start3A_188 = tpu.memref_slice %arg4[%mul3A_15] : memref<327680xi32, #tpu.memory_space<hbm>> -> memref<640xi32, #tpu.memory_space<hbm>>
        %dma_start3A_189 = tpu.memref_slice %arg4[%mul3A_15] : memref<327680xi32, #tpu.memory_space<hbm>> -> memref<640xi32, #tpu.memory_space<hbm>>
        tpu.enqueue_dma source(%dma_start3A_189 : memref<640xi32, #tpu.memory_space<hbm>>) target(%arg11 : memref<640xi32, #tpu.memory_space<vmem>>) target_semaphore(%run_scoped3A : memref<!tpu.dma_semaphore, #tpu.memory_space<semaphore_mem>>)
        %dma_wait3A_190 = tpu.memref_slice %arg4[%mul3A_15] : memref<327680xi32, #tpu.memory_space<hbm>> -> memref<640xi32, #tpu.memory_space<hbm>>
        %dma_wait3A_191 = tpu.memref_slice %arg4[%mul3A_15] : memref<327680xi32, #tpu.memory_space<hbm>> -> memref<640xi32, #tpu.memory_space<hbm>>
        tpu.wait_dma2 semaphore(%run_scoped3A : memref<!tpu.dma_semaphore, #tpu.memory_space<semaphore_mem>>) src(%dma_wait3A_191 : memref<640xi32, #tpu.memory_space<hbm>>) dst(%arg11 : memref<640xi32, #tpu.memory_space<vmem>>)
        tpu.yield
      }) : () -> ()
      %dma_start3A = arith.constant 0 : i32
      %dma_start3A_16 = arith.constant 0 : i32
      %dma_start3A_17 = tpu.memref_slice %arg5[%dma_start3A, %dma_start3A_16] : memref<1000000x64xf32, #tpu.memory_space<hbm>> -> memref<1000000x64xf32, #tpu.memory_space<hbm>>
      tpu.enqueue_indirect_dma source(%dma_start3A_17 : memref<1000000x64xf32, #tpu.memory_space<hbm>>) target(%arg12 : memref<32x64xf32, #tpu.memory_space<vmem>>) offsets(%arg9 : memref<32xi32, #tpu.memory_space<vmem>>) semaphore(%arg17 : memref<!tpu.dma_semaphore, #tpu.memory_space<semaphore_mem>>)
      %dma_start3A_18 = arith.constant 0 : i32
      %dma_start3A_19 = arith.constant 0 : i32
      %dma_start3A_20 = tpu.memref_slice %arg13[%dma_start3A_18, %dma_start3A_19] : memref<640x64xf32, #tpu.memory_space<vmem>> -> memref<128x64xf32, #tpu.memory_space<vmem>>
      %dma_start3A_21 = arith.constant 0 : i32
      %dma_start3A_22 = tpu.memref_slice %arg10[%dma_start3A_21] : memref<640xi32, #tpu.memory_space<vmem>> -> memref<128xi32, #tpu.memory_space<vmem>>
      %dma_start3A_23 = arith.constant 0 : i32
      %dma_start3A_24 = arith.constant 0 : i32
      %dma_start3A_25 = tpu.memref_slice %arg6[%dma_start3A_23, %dma_start3A_24] : memref<1000000x64xf32, #tpu.memory_space<hbm>> -> memref<1000000x64xf32, #tpu.memory_space<hbm>>
      tpu.enqueue_indirect_dma source(%dma_start3A_25 : memref<1000000x64xf32, #tpu.memory_space<hbm>>) target(%dma_start3A_20 : memref<128x64xf32, #tpu.memory_space<vmem>>) offsets(%dma_start3A_22 : memref<128xi32, #tpu.memory_space<vmem>>) semaphore(%arg17 : memref<!tpu.dma_semaphore, #tpu.memory_space<semaphore_mem>>)
      %dma_start3A_26 = arith.constant 0 : i32
      %dma_start3A_27 = arith.constant 0 : i32
      %dma_start3A_28 = tpu.memref_slice %arg14[%dma_start3A_26, %dma_start3A_27] : memref<640x64xf32, #tpu.memory_space<vmem>> -> memref<128x64xf32, #tpu.memory_space<vmem>>
      %dma_start3A_29 = arith.constant 0 : i32
      %dma_start3A_30 = tpu.memref_slice %arg11[%dma_start3A_29] : memref<640xi32, #tpu.memory_space<vmem>> -> memref<128xi32, #tpu.memory_space<vmem>>
      %dma_start3A_31 = arith.constant 0 : i32
      %dma_start3A_32 = arith.constant 0 : i32
      %dma_start3A_33 = tpu.memref_slice %arg6[%dma_start3A_31, %dma_start3A_32] : memref<1000000x64xf32, #tpu.memory_space<hbm>> -> memref<1000000x64xf32, #tpu.memory_space<hbm>>
      tpu.enqueue_indirect_dma source(%dma_start3A_33 : memref<1000000x64xf32, #tpu.memory_space<hbm>>) target(%dma_start3A_28 : memref<128x64xf32, #tpu.memory_space<vmem>>) offsets(%dma_start3A_30 : memref<128xi32, #tpu.memory_space<vmem>>) semaphore(%arg17 : memref<!tpu.dma_semaphore, #tpu.memory_space<semaphore_mem>>)
      %dma_start3A_34 = arith.constant 128 : i32
      %dma_start3A_35 = arith.constant 0 : i32
      %dma_start3A_36 = tpu.memref_slice %arg13[%dma_start3A_34, %dma_start3A_35] : memref<640x64xf32, #tpu.memory_space<vmem>> -> memref<128x64xf32, #tpu.memory_space<vmem>>
      %dma_start3A_37 = arith.constant 128 : i32
      %dma_start3A_38 = tpu.memref_slice %arg10[%dma_start3A_37] : memref<640xi32, #tpu.memory_space<vmem>> -> memref<128xi32, #tpu.memory_space<vmem>>
      %dma_start3A_39 = arith.constant 0 : i32
      %dma_start3A_40 = arith.constant 0 : i32
      %dma_start3A_41 = tpu.memref_slice %arg6[%dma_start3A_39, %dma_start3A_40] : memref<1000000x64xf32, #tpu.memory_space<hbm>> -> memref<1000000x64xf32, #tpu.memory_space<hbm>>
      tpu.enqueue_indirect_dma source(%dma_start3A_41 : memref<1000000x64xf32, #tpu.memory_space<hbm>>) target(%dma_start3A_36 : memref<128x64xf32, #tpu.memory_space<vmem>>) offsets(%dma_start3A_38 : memref<128xi32, #tpu.memory_space<vmem>>) semaphore(%arg17 : memref<!tpu.dma_semaphore, #tpu.memory_space<semaphore_mem>>)
      %dma_start3A_42 = arith.constant 128 : i32
      %dma_start3A_43 = arith.constant 0 : i32
      %dma_start3A_44 = tpu.memref_slice %arg14[%dma_start3A_42, %dma_start3A_43] : memref<640x64xf32, #tpu.memory_space<vmem>> -> memref<128x64xf32, #tpu.memory_space<vmem>>
      %dma_start3A_45 = arith.constant 128 : i32
      %dma_start3A_46 = tpu.memref_slice %arg11[%dma_start3A_45] : memref<640xi32, #tpu.memory_space<vmem>> -> memref<128xi32, #tpu.memory_space<vmem>>
      %dma_start3A_47 = arith.constant 0 : i32
      %dma_start3A_48 = arith.constant 0 : i32
      %dma_start3A_49 = tpu.memref_slice %arg6[%dma_start3A_47, %dma_start3A_48] : memref<1000000x64xf32, #tpu.memory_space<hbm>> -> memref<1000000x64xf32, #tpu.memory_space<hbm>>
      tpu.enqueue_indirect_dma source(%dma_start3A_49 : memref<1000000x64xf32, #tpu.memory_space<hbm>>) target(%dma_start3A_44 : memref<128x64xf32, #tpu.memory_space<vmem>>) offsets(%dma_start3A_46 : memref<128xi32, #tpu.memory_space<vmem>>) semaphore(%arg17 : memref<!tpu.dma_semaphore, #tpu.memory_space<semaphore_mem>>)
      %dma_start3A_50 = arith.constant 256 : i32
      %dma_start3A_51 = arith.constant 0 : i32
      %dma_start3A_52 = tpu.memref_slice %arg13[%dma_start3A_50, %dma_start3A_51] : memref<640x64xf32, #tpu.memory_space<vmem>> -> memref<128x64xf32, #tpu.memory_space<vmem>>
      %dma_start3A_53 = arith.constant 256 : i32
      %dma_start3A_54 = tpu.memref_slice %arg10[%dma_start3A_53] : memref<640xi32, #tpu.memory_space<vmem>> -> memref<128xi32, #tpu.memory_space<vmem>>
      %dma_start3A_55 = arith.constant 0 : i32
      %dma_start3A_56 = arith.constant 0 : i32
      %dma_start3A_57 = tpu.memref_slice %arg6[%dma_start3A_55, %dma_start3A_56] : memref<1000000x64xf32, #tpu.memory_space<hbm>> -> memref<1000000x64xf32, #tpu.memory_space<hbm>>
      tpu.enqueue_indirect_dma source(%dma_start3A_57 : memref<1000000x64xf32, #tpu.memory_space<hbm>>) target(%dma_start3A_52 : memref<128x64xf32, #tpu.memory_space<vmem>>) offsets(%dma_start3A_54 : memref<128xi32, #tpu.memory_space<vmem>>) semaphore(%arg17 : memref<!tpu.dma_semaphore, #tpu.memory_space<semaphore_mem>>)
      %dma_start3A_58 = arith.constant 256 : i32
      %dma_start3A_59 = arith.constant 0 : i32
      %dma_start3A_60 = tpu.memref_slice %arg14[%dma_start3A_58, %dma_start3A_59] : memref<640x64xf32, #tpu.memory_space<vmem>> -> memref<128x64xf32, #tpu.memory_space<vmem>>
      %dma_start3A_61 = arith.constant 256 : i32
      %dma_start3A_62 = tpu.memref_slice %arg11[%dma_start3A_61] : memref<640xi32, #tpu.memory_space<vmem>> -> memref<128xi32, #tpu.memory_space<vmem>>
      %dma_start3A_63 = arith.constant 0 : i32
      %dma_start3A_64 = arith.constant 0 : i32
      %dma_start3A_65 = tpu.memref_slice %arg6[%dma_start3A_63, %dma_start3A_64] : memref<1000000x64xf32, #tpu.memory_space<hbm>> -> memref<1000000x64xf32, #tpu.memory_space<hbm>>
      tpu.enqueue_indirect_dma source(%dma_start3A_65 : memref<1000000x64xf32, #tpu.memory_space<hbm>>) target(%dma_start3A_60 : memref<128x64xf32, #tpu.memory_space<vmem>>) offsets(%dma_start3A_62 : memref<128xi32, #tpu.memory_space<vmem>>) semaphore(%arg17 : memref<!tpu.dma_semaphore, #tpu.memory_space<semaphore_mem>>)
      %dma_start3A_66 = arith.constant 384 : i32
      %dma_start3A_67 = arith.constant 0 : i32
      %dma_start3A_68 = tpu.memref_slice %arg13[%dma_start3A_66, %dma_start3A_67] : memref<640x64xf32, #tpu.memory_space<vmem>> -> memref<128x64xf32, #tpu.memory_space<vmem>>
      %dma_start3A_69 = arith.constant 384 : i32
      %dma_start3A_70 = tpu.memref_slice %arg10[%dma_start3A_69] : memref<640xi32, #tpu.memory_space<vmem>> -> memref<128xi32, #tpu.memory_space<vmem>>
      %dma_start3A_71 = arith.constant 0 : i32
      %dma_start3A_72 = arith.constant 0 : i32
      %dma_start3A_73 = tpu.memref_slice %arg6[%dma_start3A_71, %dma_start3A_72] : memref<1000000x64xf32, #tpu.memory_space<hbm>> -> memref<1000000x64xf32, #tpu.memory_space<hbm>>
      tpu.enqueue_indirect_dma source(%dma_start3A_73 : memref<1000000x64xf32, #tpu.memory_space<hbm>>) target(%dma_start3A_68 : memref<128x64xf32, #tpu.memory_space<vmem>>) offsets(%dma_start3A_70 : memref<128xi32, #tpu.memory_space<vmem>>) semaphore(%arg17 : memref<!tpu.dma_semaphore, #tpu.memory_space<semaphore_mem>>)
      %dma_start3A_74 = arith.constant 384 : i32
      %dma_start3A_75 = arith.constant 0 : i32
      %dma_start3A_76 = tpu.memref_slice %arg14[%dma_start3A_74, %dma_start3A_75] : memref<640x64xf32, #tpu.memory_space<vmem>> -> memref<128x64xf32, #tpu.memory_space<vmem>>
      %dma_start3A_77 = arith.constant 384 : i32
      %dma_start3A_78 = tpu.memref_slice %arg11[%dma_start3A_77] : memref<640xi32, #tpu.memory_space<vmem>> -> memref<128xi32, #tpu.memory_space<vmem>>
      %dma_start3A_79 = arith.constant 0 : i32
      %dma_start3A_80 = arith.constant 0 : i32
      %dma_start3A_81 = tpu.memref_slice %arg6[%dma_start3A_79, %dma_start3A_80] : memref<1000000x64xf32, #tpu.memory_space<hbm>> -> memref<1000000x64xf32, #tpu.memory_space<hbm>>
      tpu.enqueue_indirect_dma source(%dma_start3A_81 : memref<1000000x64xf32, #tpu.memory_space<hbm>>) target(%dma_start3A_76 : memref<128x64xf32, #tpu.memory_space<vmem>>) offsets(%dma_start3A_78 : memref<128xi32, #tpu.memory_space<vmem>>) semaphore(%arg17 : memref<!tpu.dma_semaphore, #tpu.memory_space<semaphore_mem>>)
      %dma_start3A_82 = arith.constant 512 : i32
      %dma_start3A_83 = arith.constant 0 : i32
      %dma_start3A_84 = tpu.memref_slice %arg13[%dma_start3A_82, %dma_start3A_83] : memref<640x64xf32, #tpu.memory_space<vmem>> -> memref<128x64xf32, #tpu.memory_space<vmem>>
      %dma_start3A_85 = arith.constant 512 : i32
      %dma_start3A_86 = tpu.memref_slice %arg10[%dma_start3A_85] : memref<640xi32, #tpu.memory_space<vmem>> -> memref<128xi32, #tpu.memory_space<vmem>>
      %dma_start3A_87 = arith.constant 0 : i32
      %dma_start3A_88 = arith.constant 0 : i32
      %dma_start3A_89 = tpu.memref_slice %arg6[%dma_start3A_87, %dma_start3A_88] : memref<1000000x64xf32, #tpu.memory_space<hbm>> -> memref<1000000x64xf32, #tpu.memory_space<hbm>>
      tpu.enqueue_indirect_dma source(%dma_start3A_89 : memref<1000000x64xf32, #tpu.memory_space<hbm>>) target(%dma_start3A_84 : memref<128x64xf32, #tpu.memory_space<vmem>>) offsets(%dma_start3A_86 : memref<128xi32, #tpu.memory_space<vmem>>) semaphore(%arg17 : memref<!tpu.dma_semaphore, #tpu.memory_space<semaphore_mem>>)
      %dma_start3A_90 = arith.constant 512 : i32
      %dma_start3A_91 = arith.constant 0 : i32
      %dma_start3A_92 = tpu.memref_slice %arg14[%dma_start3A_90, %dma_start3A_91] : memref<640x64xf32, #tpu.memory_space<vmem>> -> memref<128x64xf32, #tpu.memory_space<vmem>>
      %dma_start3A_93 = arith.constant 512 : i32
      %dma_start3A_94 = tpu.memref_slice %arg11[%dma_start3A_93] : memref<640xi32, #tpu.memory_space<vmem>> -> memref<128xi32, #tpu.memory_space<vmem>>
      %dma_start3A_95 = arith.constant 0 : i32
      %dma_start3A_96 = arith.constant 0 : i32
      %dma_start3A_97 = tpu.memref_slice %arg6[%dma_start3A_95, %dma_start3A_96] : memref<1000000x64xf32, #tpu.memory_space<hbm>> -> memref<1000000x64xf32, #tpu.memory_space<hbm>>
      tpu.enqueue_indirect_dma source(%dma_start3A_97 : memref<1000000x64xf32, #tpu.memory_space<hbm>>) target(%dma_start3A_92 : memref<128x64xf32, #tpu.memory_space<vmem>>) offsets(%dma_start3A_94 : memref<128xi32, #tpu.memory_space<vmem>>) semaphore(%arg17 : memref<!tpu.dma_semaphore, #tpu.memory_space<semaphore_mem>>)
      %dma_wait3A = arith.constant 0 : i32
      %dma_wait3A_98 = arith.constant 0 : i32
      %dma_wait3A_99 = tpu.memref_slice %arg5[%dma_wait3A, %dma_wait3A_98] : memref<1000000x64xf32, #tpu.memory_space<hbm>> -> memref<1000000x64xf32, #tpu.memory_space<hbm>>
      tpu.wait_indirect_dma semaphore(%arg17 : memref<!tpu.dma_semaphore, #tpu.memory_space<semaphore_mem>>) src(%dma_wait3A_99 : memref<1000000x64xf32, #tpu.memory_space<hbm>>) dst(%arg12 : memref<32x64xf32, #tpu.memory_space<vmem>>)
      %dma_wait3A_100 = arith.constant 0 : i32
      %dma_wait3A_101 = arith.constant 0 : i32
      %dma_wait3A_102 = tpu.memref_slice %arg13[%dma_wait3A_100, %dma_wait3A_101] : memref<640x64xf32, #tpu.memory_space<vmem>> -> memref<128x64xf32, #tpu.memory_space<vmem>>
      %dma_wait3A_103 = arith.constant 0 : i32
      %dma_wait3A_104 = tpu.memref_slice %arg10[%dma_wait3A_103] : memref<640xi32, #tpu.memory_space<vmem>> -> memref<128xi32, #tpu.memory_space<vmem>>
      %dma_wait3A_105 = arith.constant 0 : i32
      %dma_wait3A_106 = arith.constant 0 : i32
      %dma_wait3A_107 = tpu.memref_slice %arg6[%dma_wait3A_105, %dma_wait3A_106] : memref<1000000x64xf32, #tpu.memory_space<hbm>> -> memref<1000000x64xf32, #tpu.memory_space<hbm>>
      tpu.wait_indirect_dma semaphore(%arg17 : memref<!tpu.dma_semaphore, #tpu.memory_space<semaphore_mem>>) src(%dma_wait3A_107 : memref<1000000x64xf32, #tpu.memory_space<hbm>>) dst(%dma_wait3A_102 : memref<128x64xf32, #tpu.memory_space<vmem>>)
      %dma_wait3A_108 = arith.constant 0 : i32
      %dma_wait3A_109 = arith.constant 0 : i32
      %dma_wait3A_110 = tpu.memref_slice %arg14[%dma_wait3A_108, %dma_wait3A_109] : memref<640x64xf32, #tpu.memory_space<vmem>> -> memref<128x64xf32, #tpu.memory_space<vmem>>
      %dma_wait3A_111 = arith.constant 0 : i32
      %dma_wait3A_112 = tpu.memref_slice %arg11[%dma_wait3A_111] : memref<640xi32, #tpu.memory_space<vmem>> -> memref<128xi32, #tpu.memory_space<vmem>>
      %dma_wait3A_113 = arith.constant 0 : i32
      %dma_wait3A_114 = arith.constant 0 : i32
      %dma_wait3A_115 = tpu.memref_slice %arg6[%dma_wait3A_113, %dma_wait3A_114] : memref<1000000x64xf32, #tpu.memory_space<hbm>> -> memref<1000000x64xf32, #tpu.memory_space<hbm>>
      tpu.wait_indirect_dma semaphore(%arg17 : memref<!tpu.dma_semaphore, #tpu.memory_space<semaphore_mem>>) src(%dma_wait3A_115 : memref<1000000x64xf32, #tpu.memory_space<hbm>>) dst(%dma_wait3A_110 : memref<128x64xf32, #tpu.memory_space<vmem>>)
      %dma_wait3A_116 = arith.constant 128 : i32
      %dma_wait3A_117 = arith.constant 0 : i32
      %dma_wait3A_118 = tpu.memref_slice %arg13[%dma_wait3A_116, %dma_wait3A_117] : memref<640x64xf32, #tpu.memory_space<vmem>> -> memref<128x64xf32, #tpu.memory_space<vmem>>
      %dma_wait3A_119 = arith.constant 128 : i32
      %dma_wait3A_120 = tpu.memref_slice %arg10[%dma_wait3A_119] : memref<640xi32, #tpu.memory_space<vmem>> -> memref<128xi32, #tpu.memory_space<vmem>>
      %dma_wait3A_121 = arith.constant 0 : i32
      %dma_wait3A_122 = arith.constant 0 : i32
      %dma_wait3A_123 = tpu.memref_slice %arg6[%dma_wait3A_121, %dma_wait3A_122] : memref<1000000x64xf32, #tpu.memory_space<hbm>> -> memref<1000000x64xf32, #tpu.memory_space<hbm>>
      tpu.wait_indirect_dma semaphore(%arg17 : memref<!tpu.dma_semaphore, #tpu.memory_space<semaphore_mem>>) src(%dma_wait3A_123 : memref<1000000x64xf32, #tpu.memory_space<hbm>>) dst(%dma_wait3A_118 : memref<128x64xf32, #tpu.memory_space<vmem>>)
      %dma_wait3A_124 = arith.constant 128 : i32
      %dma_wait3A_125 = arith.constant 0 : i32
      %dma_wait3A_126 = tpu.memref_slice %arg14[%dma_wait3A_124, %dma_wait3A_125] : memref<640x64xf32, #tpu.memory_space<vmem>> -> memref<128x64xf32, #tpu.memory_space<vmem>>
      %dma_wait3A_127 = arith.constant 128 : i32
      %dma_wait3A_128 = tpu.memref_slice %arg11[%dma_wait3A_127] : memref<640xi32, #tpu.memory_space<vmem>> -> memref<128xi32, #tpu.memory_space<vmem>>
      %dma_wait3A_129 = arith.constant 0 : i32
      %dma_wait3A_130 = arith.constant 0 : i32
      %dma_wait3A_131 = tpu.memref_slice %arg6[%dma_wait3A_129, %dma_wait3A_130] : memref<1000000x64xf32, #tpu.memory_space<hbm>> -> memref<1000000x64xf32, #tpu.memory_space<hbm>>
      tpu.wait_indirect_dma semaphore(%arg17 : memref<!tpu.dma_semaphore, #tpu.memory_space<semaphore_mem>>) src(%dma_wait3A_131 : memref<1000000x64xf32, #tpu.memory_space<hbm>>) dst(%dma_wait3A_126 : memref<128x64xf32, #tpu.memory_space<vmem>>)
      %dma_wait3A_132 = arith.constant 256 : i32
      %dma_wait3A_133 = arith.constant 0 : i32
      %dma_wait3A_134 = tpu.memref_slice %arg13[%dma_wait3A_132, %dma_wait3A_133] : memref<640x64xf32, #tpu.memory_space<vmem>> -> memref<128x64xf32, #tpu.memory_space<vmem>>
      %dma_wait3A_135 = arith.constant 256 : i32
      %dma_wait3A_136 = tpu.memref_slice %arg10[%dma_wait3A_135] : memref<640xi32, #tpu.memory_space<vmem>> -> memref<128xi32, #tpu.memory_space<vmem>>
      %dma_wait3A_137 = arith.constant 0 : i32
      %dma_wait3A_138 = arith.constant 0 : i32
      %dma_wait3A_139 = tpu.memref_slice %arg6[%dma_wait3A_137, %dma_wait3A_138] : memref<1000000x64xf32, #tpu.memory_space<hbm>> -> memref<1000000x64xf32, #tpu.memory_space<hbm>>
      tpu.wait_indirect_dma semaphore(%arg17 : memref<!tpu.dma_semaphore, #tpu.memory_space<semaphore_mem>>) src(%dma_wait3A_139 : memref<1000000x64xf32, #tpu.memory_space<hbm>>) dst(%dma_wait3A_134 : memref<128x64xf32, #tpu.memory_space<vmem>>)
      %dma_wait3A_140 = arith.constant 256 : i32
      %dma_wait3A_141 = arith.constant 0 : i32
      %dma_wait3A_142 = tpu.memref_slice %arg14[%dma_wait3A_140, %dma_wait3A_141] : memref<640x64xf32, #tpu.memory_space<vmem>> -> memref<128x64xf32, #tpu.memory_space<vmem>>
      %dma_wait3A_143 = arith.constant 256 : i32
      %dma_wait3A_144 = tpu.memref_slice %arg11[%dma_wait3A_143] : memref<640xi32, #tpu.memory_space<vmem>> -> memref<128xi32, #tpu.memory_space<vmem>>
      %dma_wait3A_145 = arith.constant 0 : i32
      %dma_wait3A_146 = arith.constant 0 : i32
      %dma_wait3A_147 = tpu.memref_slice %arg6[%dma_wait3A_145, %dma_wait3A_146] : memref<1000000x64xf32, #tpu.memory_space<hbm>> -> memref<1000000x64xf32, #tpu.memory_space<hbm>>
      tpu.wait_indirect_dma semaphore(%arg17 : memref<!tpu.dma_semaphore, #tpu.memory_space<semaphore_mem>>) src(%dma_wait3A_147 : memref<1000000x64xf32, #tpu.memory_space<hbm>>) dst(%dma_wait3A_142 : memref<128x64xf32, #tpu.memory_space<vmem>>)
      %dma_wait3A_148 = arith.constant 384 : i32
      %dma_wait3A_149 = arith.constant 0 : i32
      %dma_wait3A_150 = tpu.memref_slice %arg13[%dma_wait3A_148, %dma_wait3A_149] : memref<640x64xf32, #tpu.memory_space<vmem>> -> memref<128x64xf32, #tpu.memory_space<vmem>>
      %dma_wait3A_151 = arith.constant 384 : i32
      %dma_wait3A_152 = tpu.memref_slice %arg10[%dma_wait3A_151] : memref<640xi32, #tpu.memory_space<vmem>> -> memref<128xi32, #tpu.memory_space<vmem>>
      %dma_wait3A_153 = arith.constant 0 : i32
      %dma_wait3A_154 = arith.constant 0 : i32
      %dma_wait3A_155 = tpu.memref_slice %arg6[%dma_wait3A_153, %dma_wait3A_154] : memref<1000000x64xf32, #tpu.memory_space<hbm>> -> memref<1000000x64xf32, #tpu.memory_space<hbm>>
      tpu.wait_indirect_dma semaphore(%arg17 : memref<!tpu.dma_semaphore, #tpu.memory_space<semaphore_mem>>) src(%dma_wait3A_155 : memref<1000000x64xf32, #tpu.memory_space<hbm>>) dst(%dma_wait3A_150 : memref<128x64xf32, #tpu.memory_space<vmem>>)
      %dma_wait3A_156 = arith.constant 384 : i32
      %dma_wait3A_157 = arith.constant 0 : i32
      %dma_wait3A_158 = tpu.memref_slice %arg14[%dma_wait3A_156, %dma_wait3A_157] : memref<640x64xf32, #tpu.memory_space<vmem>> -> memref<128x64xf32, #tpu.memory_space<vmem>>
      %dma_wait3A_159 = arith.constant 384 : i32
      %dma_wait3A_160 = tpu.memref_slice %arg11[%dma_wait3A_159] : memref<640xi32, #tpu.memory_space<vmem>> -> memref<128xi32, #tpu.memory_space<vmem>>
      %dma_wait3A_161 = arith.constant 0 : i32
      %dma_wait3A_162 = arith.constant 0 : i32
      %dma_wait3A_163 = tpu.memref_slice %arg6[%dma_wait3A_161, %dma_wait3A_162] : memref<1000000x64xf32, #tpu.memory_space<hbm>> -> memref<1000000x64xf32, #tpu.memory_space<hbm>>
      tpu.wait_indirect_dma semaphore(%arg17 : memref<!tpu.dma_semaphore, #tpu.memory_space<semaphore_mem>>) src(%dma_wait3A_163 : memref<1000000x64xf32, #tpu.memory_space<hbm>>) dst(%dma_wait3A_158 : memref<128x64xf32, #tpu.memory_space<vmem>>)
      %dma_wait3A_164 = arith.constant 512 : i32
      %dma_wait3A_165 = arith.constant 0 : i32
      %dma_wait3A_166 = tpu.memref_slice %arg13[%dma_wait3A_164, %dma_wait3A_165] : memref<640x64xf32, #tpu.memory_space<vmem>> -> memref<128x64xf32, #tpu.memory_space<vmem>>
      %dma_wait3A_167 = arith.constant 512 : i32
      %dma_wait3A_168 = tpu.memref_slice %arg10[%dma_wait3A_167] : memref<640xi32, #tpu.memory_space<vmem>> -> memref<128xi32, #tpu.memory_space<vmem>>
      %dma_wait3A_169 = arith.constant 0 : i32
      %dma_wait3A_170 = arith.constant 0 : i32
      %dma_wait3A_171 = tpu.memref_slice %arg6[%dma_wait3A_169, %dma_wait3A_170] : memref<1000000x64xf32, #tpu.memory_space<hbm>> -> memref<1000000x64xf32, #tpu.memory_space<hbm>>
      tpu.wait_indirect_dma semaphore(%arg17 : memref<!tpu.dma_semaphore, #tpu.memory_space<semaphore_mem>>) src(%dma_wait3A_171 : memref<1000000x64xf32, #tpu.memory_space<hbm>>) dst(%dma_wait3A_166 : memref<128x64xf32, #tpu.memory_space<vmem>>)
      %dma_wait3A_172 = arith.constant 512 : i32
      %dma_wait3A_173 = arith.constant 0 : i32
      %dma_wait3A_174 = tpu.memref_slice %arg14[%dma_wait3A_172, %dma_wait3A_173] : memref<640x64xf32, #tpu.memory_space<vmem>> -> memref<128x64xf32, #tpu.memory_space<vmem>>
      %dma_wait3A_175 = arith.constant 512 : i32
      %dma_wait3A_176 = tpu.memref_slice %arg11[%dma_wait3A_175] : memref<640xi32, #tpu.memory_space<vmem>> -> memref<128xi32, #tpu.memory_space<vmem>>
      %dma_wait3A_177 = arith.constant 0 : i32
      %dma_wait3A_178 = arith.constant 0 : i32
      %dma_wait3A_179 = tpu.memref_slice %arg6[%dma_wait3A_177, %dma_wait3A_178] : memref<1000000x64xf32, #tpu.memory_space<hbm>> -> memref<1000000x64xf32, #tpu.memory_space<hbm>>
      tpu.wait_indirect_dma semaphore(%arg17 : memref<!tpu.dma_semaphore, #tpu.memory_space<semaphore_mem>>) src(%dma_wait3A_179 : memref<1000000x64xf32, #tpu.memory_space<hbm>>) dst(%dma_wait3A_174 : memref<128x64xf32, #tpu.memory_space<vmem>>)
      %broadcast_in_dim3A = arith.constant 0.000000e+00 : f32
      %broadcast_in_dim3A_180 = vector.broadcast %broadcast_in_dim3A : f32 to vector<16xf32>
      %scan3A_181 = arith.constant 0 : i32
      %scan3A_182 = arith.constant 32 : i32
      %scan3A_183 = arith.addi %scan3A_181, %scan3A_182 : i32
      %scan3A_184 = arith.constant 1 : i32
      %scan3A_185:2 = scf.for %scan3A_188 = %scan3A_181 to %scan3A_183 step %scan3A_184 iter_args(%scan3A_189 = %broadcast_in_dim3A_180, %scan3A_190 = %broadcast_in_dim3A_180) -> (vector<16xf32>, vector<16xf32>)  : i32 {
        %get3A = arith.index_cast %scan3A_188 : i32 to index
        %get3A_191 = arith.constant 0 : index
        %get3A_192 = tpu.vector_load %arg12[%get3A, %get3A_191] {strides = array<i32>} : memref<32x64xf32, #tpu.memory_space<vmem>>, vector<1x16xf32>,
        %get3A_193 = vector.shape_cast %get3A_192 : vector<1x16xf32> to vector<16xf32>
        %get3A_194 = arith.index_cast %scan3A_188 : i32 to index
        %get3A_195 = arith.constant 16 : index
        %get3A_196 = tpu.vector_load %arg12[%get3A_194, %get3A_195] {strides = array<i32>} : memref<32x64xf32, #tpu.memory_space<vmem>>, vector<1x16xf32>,
        %get3A_197 = vector.shape_cast %get3A_196 : vector<1x16xf32> to vector<16xf32>
        %get3A_198 = arith.index_cast %scan3A_188 : i32 to index
        %get3A_199 = arith.constant 32 : index
        %get3A_200 = tpu.vector_load %arg12[%get3A_198, %get3A_199] {strides = array<i32>} : memref<32x64xf32, #tpu.memory_space<vmem>>, vector<1x16xf32>,
        %get3A_201 = vector.shape_cast %get3A_200 : vector<1x16xf32> to vector<16xf32>
        %get3A_202 = arith.index_cast %scan3A_188 : i32 to index
        %get3A_203 = arith.constant 48 : index
        %get3A_204 = tpu.vector_load %arg12[%get3A_202, %get3A_203] {strides = array<i32>} : memref<32x64xf32, #tpu.memory_space<vmem>>, vector<1x16xf32>,
        %get3A_205 = vector.shape_cast %get3A_204 : vector<1x16xf32> to vector<16xf32>
        %scan3A_206 = arith.constant 0 : i32
        %scan3A_207 = arith.constant 20 : i32
        %scan3A_208 = arith.addi %scan3A_206, %scan3A_207 : i32
        %scan3A_209 = arith.constant 1 : i32
        %scan3A_210:2 = scf.for %scan3A_212 = %scan3A_206 to %scan3A_208 step %scan3A_209 iter_args(%scan3A_213 = %scan3A_189, %scan3A_214 = %scan3A_190) -> (vector<16xf32>, vector<16xf32>)  : i32 {
          %mul3A_215 = arith.constant 20 : i32
          %mul3A_216 = arith.muli %scan3A_188, %mul3A_215 : i32
          %add3A_217 = arith.addi %mul3A_216, %scan3A_212 : i32
          %get3A_218 = arith.index_cast %add3A_217 : i32 to index
          %get3A_219 = arith.constant 0 : index
          %get3A_220 = tpu.vector_load %arg13[%get3A_218, %get3A_219] {strides = array<i32>} : memref<640x64xf32, #tpu.memory_space<vmem>>, vector<1x16xf32>,
          %get3A_221 = vector.shape_cast %get3A_220 : vector<1x16xf32> to vector<16xf32>
          %mul3A_222 = arith.mulf %get3A_221, %get3A_193 : vector<16xf32>
          %get3A_223 = arith.index_cast %add3A_217 : i32 to index
          %get3A_224 = arith.constant 0 : index
          %get3A_225 = tpu.vector_load %arg14[%get3A_223, %get3A_224] {strides = array<i32>} : memref<640x64xf32, #tpu.memory_space<vmem>>, vector<1x16xf32>,
          %get3A_226 = vector.shape_cast %get3A_225 : vector<1x16xf32> to vector<16xf32>
          %mul3A_227 = arith.mulf %get3A_226, %get3A_193 : vector<16xf32>
          %get3A_228 = arith.index_cast %add3A_217 : i32 to index
          %get3A_229 = arith.constant 16 : index
          %get3A_230 = tpu.vector_load %arg13[%get3A_228, %get3A_229] {strides = array<i32>} : memref<640x64xf32, #tpu.memory_space<vmem>>, vector<1x16xf32>,
          %get3A_231 = vector.shape_cast %get3A_230 : vector<1x16xf32> to vector<16xf32>
          %mul3A_232 = arith.mulf %get3A_231, %get3A_197 : vector<16xf32>
          %add3A_233 = arith.addf %mul3A_222, %mul3A_232 : vector<16xf32>
          %get3A_234 = arith.index_cast %add3A_217 : i32 to index
          %get3A_235 = arith.constant 16 : index
          %get3A_236 = tpu.vector_load %arg14[%get3A_234, %get3A_235] {strides = array<i32>} : memref<640x64xf32, #tpu.memory_space<vmem>>, vector<1x16xf32>,
          %get3A_237 = vector.shape_cast %get3A_236 : vector<1x16xf32> to vector<16xf32>
          %mul3A_238 = arith.mulf %get3A_237, %get3A_197 : vector<16xf32>
          %add3A_239 = arith.addf %mul3A_227, %mul3A_238 : vector<16xf32>
          %get3A_240 = arith.index_cast %add3A_217 : i32 to index
          %get3A_241 = arith.constant 32 : index
          %get3A_242 = tpu.vector_load %arg13[%get3A_240, %get3A_241] {strides = array<i32>} : memref<640x64xf32, #tpu.memory_space<vmem>>, vector<1x16xf32>,
          %get3A_243 = vector.shape_cast %get3A_242 : vector<1x16xf32> to vector<16xf32>
          %mul3A_244 = arith.mulf %get3A_243, %get3A_201 : vector<16xf32>
          %add3A_245 = arith.addf %add3A_233, %mul3A_244 : vector<16xf32>
          %get3A_246 = arith.index_cast %add3A_217 : i32 to index
          %get3A_247 = arith.constant 32 : index
          %get3A_248 = tpu.vector_load %arg14[%get3A_246, %get3A_247] {strides = array<i32>} : memref<640x64xf32, #tpu.memory_space<vmem>>, vector<1x16xf32>,
          %get3A_249 = vector.shape_cast %get3A_248 : vector<1x16xf32> to vector<16xf32>
          %mul3A_250 = arith.mulf %get3A_249, %get3A_201 : vector<16xf32>
          %add3A_251 = arith.addf %add3A_239, %mul3A_250 : vector<16xf32>
          %get3A_252 = arith.index_cast %add3A_217 : i32 to index
          %get3A_253 = arith.constant 48 : index
          %get3A_254 = tpu.vector_load %arg13[%get3A_252, %get3A_253] {strides = array<i32>} : memref<640x64xf32, #tpu.memory_space<vmem>>, vector<1x16xf32>,
          %get3A_255 = vector.shape_cast %get3A_254 : vector<1x16xf32> to vector<16xf32>
          %mul3A_256 = arith.mulf %get3A_255, %get3A_205 : vector<16xf32>
          %add3A_257 = arith.addf %add3A_245, %mul3A_256 : vector<16xf32>
          %get3A_258 = arith.index_cast %add3A_217 : i32 to index
          %get3A_259 = arith.constant 48 : index
          %get3A_260 = tpu.vector_load %arg14[%get3A_258, %get3A_259] {strides = array<i32>} : memref<640x64xf32, #tpu.memory_space<vmem>>, vector<1x16xf32>,
          %get3A_261 = vector.shape_cast %get3A_260 : vector<1x16xf32> to vector<16xf32>
          %mul3A_262 = arith.mulf %get3A_261, %get3A_205 : vector<16xf32>
          %add3A_263 = arith.addf %add3A_251, %mul3A_262 : vector<16xf32>
          %xor3A = arith.constant 8 : i32
          %xor3A_264 = vector.broadcast %xor3A : i32 to vector<16xi32>
          %xor3A_265 = arith.xori %iota3A, %xor3A_264 : vector<16xi32>
          %broadcast_in_dim3A_266 = vector.shape_cast %xor3A_265 : vector<16xi32> to vector<16x1xi32>
          %gather3A = vector.shape_cast %broadcast_in_dim3A_266 : vector<16x1xi32> to vector<16xi32>
          %gather3A_267 = tpu.dynamic_gather %add3A_257[%gather3A] in [0] : vector<16xf32>, vector<16xi32> -> vector<16xf32>
          %add3A_268 = arith.addf %add3A_257, %gather3A_267 : vector<16xf32>
          %broadcast_in_dim3A_269 = vector.shape_cast %xor3A_265 : vector<16xi32> to vector<16x1xi32>
          %gather3A_270 = vector.shape_cast %broadcast_in_dim3A_269 : vector<16x1xi32> to vector<16xi32>
          %gather3A_271 = tpu.dynamic_gather %add3A_263[%gather3A_270] in [0] : vector<16xf32>, vector<16xi32> -> vector<16xf32>
          %add3A_272 = arith.addf %add3A_263, %gather3A_271 : vector<16xf32>
          %xor3A_273 = arith.constant 4 : i32
          %xor3A_274 = vector.broadcast %xor3A_273 : i32 to vector<16xi32>
          %xor3A_275 = arith.xori %iota3A, %xor3A_274 : vector<16xi32>
          %broadcast_in_dim3A_276 = vector.shape_cast %xor3A_275 : vector<16xi32> to vector<16x1xi32>
          %gather3A_277 = vector.shape_cast %broadcast_in_dim3A_276 : vector<16x1xi32> to vector<16xi32>
          %gather3A_278 = tpu.dynamic_gather %add3A_268[%gather3A_277] in [0] : vector<16xf32>, vector<16xi32> -> vector<16xf32>
          %add3A_279 = arith.addf %add3A_268, %gather3A_278 : vector<16xf32>
          %broadcast_in_dim3A_280 = vector.shape_cast %xor3A_275 : vector<16xi32> to vector<16x1xi32>
          %gather3A_281 = vector.shape_cast %broadcast_in_dim3A_280 : vector<16x1xi32> to vector<16xi32>
          %gather3A_282 = tpu.dynamic_gather %add3A_272[%gather3A_281] in [0] : vector<16xf32>, vector<16xi32> -> vector<16xf32>
          %add3A_283 = arith.addf %add3A_272, %gather3A_282 : vector<16xf32>
          %xor3A_284 = arith.constant 2 : i32
          %xor3A_285 = vector.broadcast %xor3A_284 : i32 to vector<16xi32>
          %xor3A_286 = arith.xori %iota3A, %xor3A_285 : vector<16xi32>
          %broadcast_in_dim3A_287 = vector.shape_cast %xor3A_286 : vector<16xi32> to vector<16x1xi32>
          %gather3A_288 = vector.shape_cast %broadcast_in_dim3A_287 : vector<16x1xi32> to vector<16xi32>
          %gather3A_289 = tpu.dynamic_gather %add3A_279[%gather3A_288] in [0] : vector<16xf32>, vector<16xi32> -> vector<16xf32>
          %add3A_290 = arith.addf %add3A_279, %gather3A_289 : vector<16xf32>
          %broadcast_in_dim3A_291 = vector.shape_cast %xor3A_286 : vector<16xi32> to vector<16x1xi32>
          %gather3A_292 = vector.shape_cast %broadcast_in_dim3A_291 : vector<16x1xi32> to vector<16xi32>
          %gather3A_293 = tpu.dynamic_gather %add3A_283[%gather3A_292] in [0] : vector<16xf32>, vector<16xi32> -> vector<16xf32>
          %add3A_294 = arith.addf %add3A_283, %gather3A_293 : vector<16xf32>
          %xor3A_295 = arith.constant 1 : i32
          %xor3A_296 = vector.broadcast %xor3A_295 : i32 to vector<16xi32>
          %xor3A_297 = arith.xori %iota3A, %xor3A_296 : vector<16xi32>
          %broadcast_in_dim3A_298 = vector.shape_cast %xor3A_297 : vector<16xi32> to vector<16x1xi32>
          %gather3A_299 = vector.shape_cast %broadcast_in_dim3A_298 : vector<16x1xi32> to vector<16xi32>
          %gather3A_300 = tpu.dynamic_gather %add3A_290[%gather3A_299] in [0] : vector<16xf32>, vector<16xi32> -> vector<16xf32>
          %add3A_301 = arith.addf %add3A_290, %gather3A_300 : vector<16xf32>
          %broadcast_in_dim3A_302 = vector.shape_cast %xor3A_297 : vector<16xi32> to vector<16x1xi32>
          %gather3A_303 = vector.shape_cast %broadcast_in_dim3A_302 : vector<16x1xi32> to vector<16xi32>
          %gather3A_304 = tpu.dynamic_gather %add3A_294[%gather3A_303] in [0] : vector<16xf32>, vector<16xi32> -> vector<16xf32>
          %add3A_305 = arith.addf %add3A_294, %gather3A_304 : vector<16xf32>
          %rem3A = arith.constant 16 : i32
          %rem3A_306 = arith.remsi %add3A_217, %rem3A : i32
          %eq3A = vector.broadcast %rem3A_306 : i32 to vector<16xi32>
          %eq3A_307 = arith.cmpi eq, %iota3A, %eq3A : vector<16xi32>
          %select_n3A = arith.select %eq3A_307, %add3A_301, %scan3A_213 : vector<16xi1>, vector<16xf32>
          %eq3A_308 = vector.broadcast %rem3A_306 : i32 to vector<16xi32>
          %eq3A_309 = arith.cmpi eq, %iota3A, %eq3A_308 : vector<16xi32>
          %select_n3A_310 = arith.select %eq3A_309, %add3A_305, %scan3A_214 : vector<16xi1>, vector<16xf32>
          %eq3A_311 = arith.constant 15 : i32
          %eq3A_312 = arith.cmpi eq, %rem3A_306, %eq3A_311 : i32
          %convert_element_type3A = arith.extui %eq3A_312 : i1 to i32
          %cond3A = arith.constant 0 : i32
          %cond3A_313 = arith.cmpi ne, %convert_element_type3A, %cond3A : i32
          scf.if %cond3A_313 {
            %sub3A = arith.constant 15 : i32
            %sub3A_314 = arith.subi %add3A_217, %sub3A : i32
            %multiple_of3A = tpu.assume_multiple %sub3A_314, 16 : i32
            %swap3A = arith.index_cast %multiple_of3A : i32 to index
            %swap3A_315 = tpu.vector_load %arg15[%swap3A] {strides = array<i32>} : memref<640xf32, #tpu.memory_space<vmem>>, vector<16xf32>,
            %swap3A_316 = vector.shape_cast %swap3A_315 : vector<16xf32> to vector<16xf32>
            %swap3A_317 = vector.shape_cast %select_n3A : vector<16xf32> to vector<16xf32>
            tpu.vector_store %arg15[%swap3A], %swap3A_317 {strides = array<i32>} : memref<640xf32, #tpu.memory_space<vmem>>, vector<16xf32>,
            %swap3A_318 = arith.index_cast %multiple_of3A : i32 to index
            %swap3A_319 = tpu.vector_load %arg16[%swap3A_318] {strides = array<i32>} : memref<640xf32, #tpu.memory_space<vmem>>, vector<16xf32>,
            %swap3A_320 = vector.shape_cast %swap3A_319 : vector<16xf32> to vector<16xf32>
            %swap3A_321 = vector.shape_cast %select_n3A_310 : vector<16xf32> to vector<16xf32>
            tpu.vector_store %arg16[%swap3A_318], %swap3A_321 {strides = array<i32>} : memref<640xf32, #tpu.memory_space<vmem>>, vector<16xf32>,
          } else {
          }
          scf.yield %select_n3A, %select_n3A_310 : vector<16xf32>, vector<16xf32>
        }
        %scan3A_211 = arith.constant 20 : i32
        scf.yield %scan3A_210#0, %scan3A_210#1 : vector<16xf32>, vector<16xf32>
      }
      %scan3A_186 = arith.constant 32 : i32
      "tpu.region"() ({
        %run_scoped3A = tpu.sem_alloc : memref<!tpu.dma_semaphore, #tpu.memory_space<semaphore_mem>>
        %dma_start3A_188 = tpu.memref_slice %arg7[%mul3A_15] : memref<327680xf32, #tpu.memory_space<hbm>> -> memref<640xf32, #tpu.memory_space<hbm>>
        %dma_start3A_189 = tpu.memref_slice %arg7[%mul3A_15] : memref<327680xf32, #tpu.memory_space<hbm>> -> memref<640xf32, #tpu.memory_space<hbm>>
        tpu.enqueue_dma source(%arg15 : memref<640xf32, #tpu.memory_space<vmem>>) target(%dma_start3A_189 : memref<640xf32, #tpu.memory_space<hbm>>) target_semaphore(%run_scoped3A : memref<!tpu.dma_semaphore, #tpu.memory_space<semaphore_mem>>)
        %dma_wait3A_190 = tpu.memref_slice %arg7[%mul3A_15] : memref<327680xf32, #tpu.memory_space<hbm>> -> memref<640xf32, #tpu.memory_space<hbm>>
        %dma_wait3A_191 = tpu.memref_slice %arg7[%mul3A_15] : memref<327680xf32, #tpu.memory_space<hbm>> -> memref<640xf32, #tpu.memory_space<hbm>>
        tpu.wait_dma2 semaphore(%run_scoped3A : memref<!tpu.dma_semaphore, #tpu.memory_space<semaphore_mem>>) src(%arg15 : memref<640xf32, #tpu.memory_space<vmem>>) dst(%dma_wait3A_191 : memref<640xf32, #tpu.memory_space<hbm>>)
        tpu.yield
      }) : () -> ()
      "tpu.region"() ({
        %run_scoped3A = tpu.sem_alloc : memref<!tpu.dma_semaphore, #tpu.memory_space<semaphore_mem>>
        %dma_start3A_188 = tpu.memref_slice %arg8[%mul3A_15] : memref<327680xf32, #tpu.memory_space<hbm>> -> memref<640xf32, #tpu.memory_space<hbm>>
        %dma_start3A_189 = tpu.memref_slice %arg8[%mul3A_15] : memref<327680xf32, #tpu.memory_space<hbm>> -> memref<640xf32, #tpu.memory_space<hbm>>
        tpu.enqueue_dma source(%arg16 : memref<640xf32, #tpu.memory_space<vmem>>) target(%dma_start3A_189 : memref<640xf32, #tpu.memory_space<hbm>>) target_semaphore(%run_scoped3A : memref<!tpu.dma_semaphore, #tpu.memory_space<semaphore_mem>>)
        %dma_wait3A_190 = tpu.memref_slice %arg8[%mul3A_15] : memref<327680xf32, #tpu.memory_space<hbm>> -> memref<640xf32, #tpu.memory_space<hbm>>
        %dma_wait3A_191 = tpu.memref_slice %arg8[%mul3A_15] : memref<327680xf32, #tpu.memory_space<hbm>> -> memref<640xf32, #tpu.memory_space<hbm>>
        tpu.wait_dma2 semaphore(%run_scoped3A : memref<!tpu.dma_semaphore, #tpu.memory_space<semaphore_mem>>) src(%arg16 : memref<640xf32, #tpu.memory_space<vmem>>) dst(%dma_wait3A_191 : memref<640xf32, #tpu.memory_space<hbm>>)
        tpu.yield
      }) : () -> ()
      %scan3A_187 = arith.constant 0 : i32
      scf.yield %scan3A_187 : i32
    }
    %scan3A_6 = arith.constant 16 : i32
    return
  }
}

module attributes {stable_mosaic.version = 14 : i64} {
  func.func @_loss_body(%arg0: memref<2560x128xf32, #tpu.memory_space<vmem>>, %arg1: memref<2560x128xf32, #tpu.memory_space<vmem>>, %arg2: memref<2560x128xf32, #tpu.memory_space<vmem>>) attributes {dimension_semantics = [], scalar_prefetch = 0 : i64, scratch_operands = 0 : i64, tpu.core_type = #tpu.core_type<tc>} {
    %get3A = arith.constant 0 : index
    %get3A_0 = arith.constant 0 : index
    %get3A_1 = vector.load %arg0[%get3A, %get3A_0] : memref<2560x128xf32, #tpu.memory_space<vmem>>, vector<2560x128xf32>
    %get3A_2 = arith.constant 0 : index
    %get3A_3 = arith.constant 0 : index
    %get3A_4 = vector.load %arg1[%get3A_2, %get3A_3] : memref<2560x128xf32, #tpu.memory_space<vmem>>, vector<2560x128xf32>
    %neg3A = arith.constant 0.000000e+00 : f32
    %neg3A_5 = vector.broadcast %neg3A : f32 to vector<2560x128xf32>
    %neg3A_6 = arith.subf %neg3A_5, %get3A_1 : vector<2560x128xf32>
    %max3A = arith.constant 0.000000e+00 : f32
    %max3A_7 = vector.broadcast %max3A : f32 to vector<2560x128xf32>
    %max3A_8 = arith.maximumf %neg3A_6, %max3A_7 : vector<2560x128xf32>
    %abs3A = math.absf %get3A_1 : vector<2560x128xf32>
    %neg3A_9 = arith.constant 0.000000e+00 : f32
    %neg3A_10 = vector.broadcast %neg3A_9 : f32 to vector<2560x128xf32>
    %neg3A_11 = arith.subf %neg3A_10, %abs3A : vector<2560x128xf32>
    %exp3A = math.exp %neg3A_11 : vector<2560x128xf32>
    %log1p3A = math.log1p %exp3A : vector<2560x128xf32>
    %add3A = arith.addf %max3A_8, %log1p3A : vector<2560x128xf32>
    %max3A_12 = arith.constant 0.000000e+00 : f32
    %max3A_13 = vector.broadcast %max3A_12 : f32 to vector<2560x128xf32>
    %max3A_14 = arith.maximumf %get3A_4, %max3A_13 : vector<2560x128xf32>
    %abs3A_15 = math.absf %get3A_4 : vector<2560x128xf32>
    %neg3A_16 = arith.constant 0.000000e+00 : f32
    %neg3A_17 = vector.broadcast %neg3A_16 : f32 to vector<2560x128xf32>
    %neg3A_18 = arith.subf %neg3A_17, %abs3A_15 : vector<2560x128xf32>
    %exp3A_19 = math.exp %neg3A_18 : vector<2560x128xf32>
    %log1p3A_20 = math.log1p %exp3A_19 : vector<2560x128xf32>
    %add3A_21 = arith.addf %max3A_14, %log1p3A_20 : vector<2560x128xf32>
    %add3A_22 = arith.addf %add3A, %add3A_21 : vector<2560x128xf32>
    %swap3A = arith.constant 0 : index
    %swap3A_23 = arith.constant 0 : index
    %swap3A_24 = vector.load %arg2[%swap3A, %swap3A_23] : memref<2560x128xf32, #tpu.memory_space<vmem>>, vector<2560x128xf32>
    tpu.vector_store %arg2[%swap3A, %swap3A_23], %add3A_22 {strides = array<i32>} : memref<2560x128xf32, #tpu.memory_space<vmem>>, vector<2560x128xf32>,
    return
  }
}

</mosaic_0001>

<sc_bundles>
// kernel: kernel.4.cloned.1.call-start
scs
__scs_entry_jumppad:
0x0: {  	(pc) =	sbr.rel $0x88, $3  }
0x1: {  	(tag) =	ssettag $0x0;
	lr =	simm.s32 $0x1  }
0x2: {  	[smem:$0x3F9C] =	sst lr;
	_ =	strace $0xD0000000  }
0x3: {  	_ = 	snop  }
0x4: {  	_ = 	snop  }
0x5: {  	_ = 	snop  }
0x6: {  	_ = 	snop  }
0x7: {  	_ = 	snop  }
__scs_overlays_trampoline_lowered:
0x8: {  	[smem:$0x3FAB] =	sst s0  }
0x9: {  	[smem:$0x3FAC] =	sst s1  }
0xa: {  	[smem:$0x3FAD] =	sst s2  }
0xb: {  	[smem:$0x3FAE] =	sst s3  }
0xc: {  	[smem:$0x3FAF] =	sst s4  }
0xd: {  	[smem:$0x3FB0] =	sst s5  }
0xe: {  	[smem:$0x3FB1] =	sst s6  }
0xf: {  	[smem:$0x3FB2] =	sst s7  }
0x10: {  	[smem:$0x3FB3] =	sst s8  }
0x11: {  	[smem:$0x3FB4] =	sst s9;
	s0 =	simm.s32 @!p0 $0x0  }
0x12: {  	s1 =	sld [smem:$0x3F9A];
	s0 =	simm.s32 @p0 $0x1  }
0x13: {  	[smem:$0x3FB5] =	sst s0;
	s0 =	simm.s32 @!p1 $0x0  }
0x14: {  	s2 =	sld [smem:$0x3F99];
	s0 =	simm.s32 @p1 $0x1  }
0x15: {  	[smem:$0x3FB6] =	sst s0;
	s0 =	simm.s32 @!p2 $0x0  }
0x16: {  	s3 =	sld [smem:$0x3FDB];
	s0 =	simm.s32 @p2 $0x1  }
0x17: {  	s4 =	simm.s32 $0x1BF5;
	[smem:$0x3FB8] =	sst s0  }
0x18: {  	s0 =	sld [smem:$0x3F9B];
	_ =	swait.ge [sflag:s4], $0x0  }
0x19: {  	s7 =	sld [smem:$0x3F9C]  }
0x1a: {  	s8 =	sadd.s32 $0xFFFFE003, lr  }
0x1b: {  	s9 =	sadd.s32 $0xFFFFFEF7, lr;
	s5 =	simm.s32 $0xFFFFFFFF;
	p2 =	slt.u32 s8, $0xFFFFF086  }
0x1c: {  	p1 =	slt.u32 s9, $0xF7A;
	s5 =	simm.s32 @!p2 $0x0  }
0x1d: {  	s5 =	simm.s32 @p1 $0x1;
	p0 =	seq.s32 s7, s2  }
0x1e: {  	s7 =	smul.u32 @!p0 $0xF7A, s2;
	p2 =	seq.s32 @!p0 s5, $0x0  }
0x1f: {  	s9 =	smul.u32 $0xF7A, s1;
	s8 =	simm.s32 @!p0 $0x1BF5;
	p2 =	por !p2, p0  }
0x20: {  	[sflag:s8] =	ssyncset.s32 @!p0 $0xFFFFF086;
	s6 =	sadd.s32 @!p0 s3, s7;
	s7 =	simm.s32 @!p0 $0x108  }
0x21: {  	s3 =	sadd.s32 s3, s9;
	s6 =	sadd.s32 @!p0 $0x88, s6;
	s7 =	simm.s32 @p2 $0x1082  }
0x22: {  	[simem:s7], [sflag:s8] =	dma.local @!p0 [hbm:s6], $0xF7A  }
0x23: {  	s9 =	sor.u32 $0xD0000000, s2;
	s6 =	simm.s32 $0x108;
	_ =	swait.ge @!p0 [sflag:s8], $0x0  }
0x24: {  	s3 =	sadd.s32 $0x88, s3;
	s6 =	simm.s32 @!p1 $0x1082;
	[sflag:s4] =	ssyncset.s32 $0xFFFFF086  }
0x25: {  	[simem:s6], [sflag:s4] =	dma.local [hbm:s3], $0xF7A  }
0x26: {  	[smem:$0x3F9C] =	sst s1;
	(tag) =	ssettag s2;
	_ =	strace s9  }
0x27: {  	s1 =	sld [smem:$0x3FAC]  }
0x28: {  	s2 =	sld [smem:$0x3FAD]  }
0x29: {  	s4 =	sld [smem:$0x3FAF]  }
0x2a: {  	p0 =	seq.s32 s5, $0x0;
	s5 =	sld [smem:$0x3FB0]  }
0x2b: {  	s6 =	sld [smem:$0x3FB1]  }
0x2c: {  	s7 =	sld [smem:$0x3FB2]  }
0x2d: {  	s3 =	simm.s32 $0x108;
	s8 =	sld [smem:$0x3FB3]  }
0x2e: {  	s3 =	simm.s32 @!p0 $0x1082;
	s9 =	sld [smem:$0x3FB4]  }
0x2f: {  	lr =	sadd.s32 s0, s3;
	s0 =	sld [smem:$0x3FAB]  }
0x30: {  	s3 =	sld [smem:$0x3FAE]  }
0x31: {  	[smem:$0x3FB7] =	sst s10  }
0x32: {  	s10 =	sld [smem:$0x3FB5];
	_ =	sdelay $0x3  }
0x33: {  	p0 =	seq.s32 s10, $0x1;
	s10 =	sld [smem:$0x3FB7];
	_ =	sdelay $0x3  }
0x34: {  	[smem:$0x3FB7] =	sst s10  }
0x35: {  	s10 =	sld [smem:$0x3FB6];
	_ =	sdelay $0x3  }
0x36: {  	p1 =	seq.s32 s10, $0x1;
	s10 =	sld [smem:$0x3FB7];
	_ =	sdelay $0x3  }
0x37: {  	[smem:$0x3FB7] =	sst s10  }
0x38: {  	s10 =	sld [smem:$0x3FB8]  }
0x39: {  	_ = 	snop;
	(pc) =	sbr.ind lr, $3  }
0x3a: {  	_ = 	snop  }
0x3b: {  	_ = 	snop  }
0x3c: {  	p2 =	seq.s32 s10, $0x1;
	s10 =	sld [smem:$0x3FB7]  }
0x3d: {  	_ =	shalt  }
0x3e: {  	_ =	shalt  }
0x3f: {  	_ =	shalt  }
0x40: {  	_ =	shalt  }
0x41: {  	_ =	shalt  }
0x42: {  	_ =	shalt  }
0x43: {  	_ =	shalt  }
0x44: {  	_ =	shalt  }
0x45: {  	_ =	shalt  }
0x46: {  	_ =	shalt  }
0x47: {  	_ =	shalt  }
0x48: {  	_ =	shalt  }
0x49: {  	_ =	shalt  }
0x4a: {  	_ =	shalt  }
0x4b: {  	_ =	shalt  }
0x4c: {  	_ =	shalt  }
0x4d: {  	_ =	shalt  }
0x4e: {  	_ =	shalt  }
0x4f: {  	_ =	shalt  }
0x50: {  	_ =	shalt  }
0x51: {  	_ =	shalt  }
0x52: {  	_ =	shalt  }
0x53: {  	_ =	shalt  }
0x54: {  	_ =	shalt  }
0x55: {  	_ =	shalt  }
0x56: {  	_ =	shalt  }
0x57: {  	_ =	shalt  }
0x58: {  	_ =	shalt  }
0x59: {  	_ =	shalt  }
0x5a: {  	_ =	shalt  }
0x5b: {  	_ =	shalt  }
0x5c: {  	_ =	shalt  }
0x5d: {  	_ =	shalt  }
0x5e: {  	_ =	shalt  }
0x5f: {  	_ =	shalt  }
0x60: {  	_ =	shalt  }
0x61: {  	_ =	shalt  }
0x62: {  	_ =	shalt  }
0x63: {  	_ =	shalt  }
0x64: {  	_ =	shalt  }
0x65: {  	_ =	shalt  }
0x66: {  	_ =	shalt  }
0x67: {  	_ =	shalt  }
0x68: {  	_ =	shalt  }
0x69: {  	_ =	shalt  }
0x6a: {  	_ =	shalt  }
0x6b: {  	_ =	shalt  }
0x6c: {  	_ =	shalt  }
0x6d: {  	_ =	shalt  }
0x6e: {  	_ =	shalt  }
0x6f: {  	_ =	shalt  }
0x70: {  	_ =	shalt  }
0x71: {  	_ =	shalt  }
0x72: {  	_ =	shalt  }
0x73: {  	_ =	shalt  }
0x74: {  	_ =	shalt  }
0x75: {  	_ =	shalt  }
0x76: {  	_ =	shalt  }
0x77: {  	_ =	shalt  }
0x78: {  	_ =	shalt  }
0x79: {  	_ =	shalt  }
0x7a: {  	_ =	shalt  }
0x7b: {  	_ =	shalt  }
0x7c: {  	_ =	shalt  }
0x7d: {  	_ =	shalt  }
0x7e: {  	_ =	shalt  }
0x7f: {  	_ =	shalt  }
0x80: {  	_ =	shalt  }
0x81: {  	_ =	shalt  }
0x82: {  	_ =	shalt  }
0x83: {  	_ =	shalt  }
0x84: {  	_ =	shalt  }
0x85: {  	_ =	shalt  }
0x86: {  	_ =	shalt  }
0x87: {  	_ =	shalt  }
.Lfunc_end0:
.L_simem_size_0:
called_computation_lowered:
.L_overlay_start_0:
0x88: {  	s2 =	sld [smem:$0x3FD9]  }
0x89: {  	s3 =	sld [smem:$0x3FFE];
	_ =	sdelay $0x1  }
0x8a: {  	s1 =	srdreg.scid  }
0x8b: {  	s0 =	sand.u32 $0x1, s1  }
0x8c: {  	s17 =	sshll.u32 s0, $0xA;
	s2 =	sadd.s32 s3, s2  }
0x8d: {  	s2 =	sadd.s32 s2, s17  }
0x8e: {  	[smem:$0x3FC3] =	sst s2  }
0x8f: {  	_ = 	snop  }
0x90: {  	s2 =	sld [smem:$0x3FC9]  }
0x91: {  	s18 =	sld [smem:$0x3FD0];
	(tm) =	ssettm $0x1  }
0x92: {  	s4 =	sld [smem:$0x3FFB];
	_ =	sdelay $0x3  }
0x93: {  	_ =	strace s4  }
0x94: {  	s4 =	sld [smem:$0x3FFC];
	_ =	sdelay $0x3  }
0x95: {  	_ =	strace s4  }
0x96: {  	s4 =	sld [smem:$0x3FFD];
	_ =	sdelay $0x3  }
0x97: {  	_ =	strace s4  }
0x98: {  	_ =	strace $0x8FFFFFFF  }
0x99: {  	s19 =	sld [smem:$0x3FDB];
	_ =	sdelay $0x1  }
0x9a: {  	s5 =	simm.s32 $_scs_section_size  }
0x9b: {  	s6 =	simm.s32 $_size__tile_overlayer_lowered;
	s7 =	simm.s32 $_tile_overlayer_lowered  }
0x9c: {  	s22 =	simm.s32 $0x1BFF;
	s21 =	sshll.u32 s7, $0x1;
	s4 =	sadd.s32 s5, s19  }
0x9d: {  	s8 =	simm.s32 $0x0;
	s20 =	sshll.u32 s6, $0x1;
	s6 =	sadd.s32 s21, s4  }
0x9e: {  	[timem:s8], [sflag:s22] =	dma.local [hbm:s6], s20  }
0x9f: {  	_ =	swait.ge [sflag:s22], s20  }
0xa0: {  	s5 =	ssub.s32 $0x0, s20;
	[sflag:s22] =	ssyncset.done $0x0  }
0xa1: {  	[sflag:s22] =	ssyncadd.s32 s5;
	_ =	sdelay $0x1  }
0xa2: {  	s23 =	simm.s32 $0x1B8B  }
0xa3: {  	_ =	swait.ge [sflag:s23], $0x1  }
0xa4: {  	[sflag:s23] =	ssyncset.done $0x0  }
0xa5: {  	s25 =	simm.s32 $0x1B8E;
	s24 =	sld [smem:$0x3FFE];
	[sflag:s23] =	ssyncadd.s32 $0xFFFFFFFF  }
0xa6: {  	s26 =	simm.s32 $execute0_lowered;
	[smem:$0x3FD2] =	sst s25  }
0xa7: {  	s6 =	sshll.u32 s26, $0x1;
	_ =	strace $0x80000046;
	[dreg:$0x1] =	wrdreg $0xFFFFFFFF  }
0xa8: {  	s28 =	simm.s32 $_size_execute0_lowered;
	s4 =	sadd.s32 s4, s6;
	[dreg:$0x0] =	wrdreg $0x0  }
0xa9: {  	s6 =	sshll.u32 s28, $0x1;
	[dreg:$0x2] =	wrdreg s4  }
0xaa: {  	[dreg:$0x3] =	wrdreg s6  }
0xab: {  	[dreg:$0x4] =	wrdreg $0xC0  }
0xac: {  	_ =	task [dreg:s8], $0x5FFFF  }
0xad: {  	[dreg:$0x1] =	wrdreg $0xFFFFFFFF  }
0xae: {  	[dreg:$0x0] =	wrdreg $0x60  }
0xaf: {  	[dreg:$0x2] =	wrdreg s2  }
0xb0: {  	[dreg:$0x3] =	wrdreg s18  }
0xb1: {  	[dreg:$0x4] =	wrdreg s24  }
0xb2: {  	[dreg:$0x5] =	wrdreg $0x9  }
0xb3: {  	_ =	task.clear_ibuf [dreg:s8], $0x6FFFF;
	_ =	strace $0x90000046  }
0xb4: {  	s29 =	simm.s32 $0x9;
	_ =	strace $0x80000048  }
0xb5: {  	_ =	swait.ge [sflag:s29], $0x1  }
0xb6: {  	[sflag:s29] =	ssyncadd.s32 $0xFFFFFFFF  }
0xb7: {  	_ =	strace $0x90000048  }
0xb8: {  	_ =	sfence  }
0xb9: {  	s30 =	sld [smem:$0x0];
	_ =	sdelay $0x2  }
0xba: {  	s31 =	sshll.u32 s1, $0xD;
	s1 =	sshrl.u32 s1, $0x2  }
0xbb: {  	s3 =	sand.u32 $0x4000, s31;
	s1 =	sadd.s32 s1, s30  }
0xbc: {  	s0 =	sor.u32 s3, s0;
	s1 =	sshll.u32 s1, $0x11  }
0xbd: {  	s0 =	sor.u32 s1, s0  }
0xbe: {  	s0 =	sadd.s32 $0x8F2B, s0  }
0xbf: {  	[sflag:s0] =	ssyncadd.remote.s32 $0x1  }
0xc0: {  	_ =	sfence.sel $0xFFFF  }
0xc1: {  	[dreg:$0x0] =	wrdreg $0xFFFFFFFF;
	(pc) =	sbr.abs _section_cstart, $3  }
0xc2: {  	[dreg:$0x1] =	wrdreg $0xFFFFFFFF  }
0xc3: {  	_ =	task.clear_ibuf [dreg:s8], $0x2FFFF;
	_ =	strace $0x9FFFFFFF  }
0xc4: {  	(tm) =	ssettm $0x7FFFFFFF  }
0xc5: {  	_ =	shalt  }
tec
execute0_lowered:
.L_overlay_start_1:
0x0: {  	(tag) =	ssettag $0x1  }
0x1: {  	v0 =	vimm.s32 $0xFEDCBA98;
	v1 =	vimm.s32 $0x76543210  }
0x2: {  	s0 =	rddreg [dreg:$0x2];
	v2 =	vimm.s32 $0xBA98FEDC;
	v3 =	vimm.s32 $0x32107654;
	v4 =	vimm.s32 $0xDCFE98BA  }
0x3: {  	s3 =	simm.s32 $0x0;
	s1 =	srdreg.scid;
	s7 =	stileid.u32;
	v5 =	vimm.s32 $0x54761032;
	v6 =	vimm.s32 $0xEFCDAB89;
	v7 =	vimm.s32 $0x67452301  }
0x4: {  	s12 =	simm.s32 $0x2A0;
	s15 =	simm.s32 $0x2;
	s16 =	simm.s32 $0x20;
	v0 =	vunpack.c.l.s4.s8 v0;
	v1 =	vunpack.c.l.s4.s8 v1;
	v2 =	vunpack.c.l.s4.s8 v2  }
0x5: {  	s17 =	simm.s32 $0x80;
	s11 =	simm.s32 $0x4A0;
	s13 =	simm.s32 $0x14D20;
	v3 =	vunpack.c.l.s4.s8 v3;
	v4 =	vunpack.c.l.s4.s8 v4;
	v5 =	vunpack.c.l.s4.s8 v5  }
0x6: {  	s14 =	simm.s32 $0x14FA0;
	s18 =	simm.s32 $0x0;
	[smem:$0x7FF] =	sst s3;
	v6 =	vunpack.c.l.s4.s8 v6;
	v7 =	vunpack.c.l.s4.s8 v7;
	v0 =	vunpack.c.0.s8.s32 v0  }
0x7: {  	s4 =	sadd.s32 $0x1000, s0;
	s5 =	sadd.s32 $0x16E4600, s0;
	s1 =	sand.u32 $0x1, s1;
	v2 =	vunpack.c.0.s8.s32 v2;
	v3 =	vunpack.c.0.s8.s32 v3;
	v4 =	vunpack.c.0.s8.s32 v4  }
0x8: {  	s6 =	sadd.s32 $0xF43400, s0;
	s8 =	sadd.s32 $0xB000, s0;
	s2 =	ssub.s32 $0x2, s1;
	v5 =	vunpack.c.0.s8.s32 v5;
	v6 =	vunpack.c.0.s8.s32 v6;
	v7 =	vunpack.c.0.s8.s32 v7  }
0x9: {  	s9 =	sadd.s32 $0x15000, s0;
	s31 =	sshll.u32 s7, $0xA;
	s30 =	sshrl.u32 s2, $0x1;
	v1 =	vunpack.c.0.s8.s32 v1;
	v2 =	vcombine.low v3, v2  }
0xa: {  	s7 =	simm.s32 $0x8D20;
	s1 =	sshll.u32 s1, $0x9;
	s0 =	ssub.s32 s2, s30;
	v3 =	vcombine.low v5, v4;
	v4 =	vcombine.low v7, v6;
	v0 =	vand.u32 $0xF, v0  }
0xb: {  	_ =	strace $0x80000047;
	s10 =	sor.u32 s1, s31;
	s0 =	smax.u32 s0, $0x1;
	v0 =	vcombine.low v0, v1;
	v1 =	vand.u32 $0xF, v2  }
0xc: {  	s1 =	simm.s32 $0x12D20;
	s2 =	simm.s32 $0x1;
	[dreg:$0x4] =	wrdreg s0;
	v2 =	vand.u32 $0xF, v3;
	v3 =	vand.u32 $0xF, v4;
	v4 =	vlaneseq.u32  }
.LBB2_1:
0xd: {  	[dreg:$0x5] =	wrdreg s18;
	s18 =	simm.s32 $0x0  }
.LBB2_2:
0xe: {  	s19 =	sshll.u32 s18, $0x5  }
0xf: {  	s19 =	sadd.s32 s10, s19  }
0x10: {  	s0 =	rddreg [dreg:$0x0];
	s20 =	sshrl.u32 s19, $0x3  }
0x11: {  	s30 =	simm.s32 $0x0;
	s20 =	sadd.s32 s0, s20  }
0x12: {  	[tilespmem:s30], [sflag:$0x2] =	stream.linear.gather [hbm4b:s20+s30], $0x20, $0x38;
	[tilespmem:$0x15220] =	vst v63  }
0x13: {  	_ =	swait.ge [sflag:s15], $0x20  }
0x14: {  	s19 =	smul.u32 $0x14, s19;
	[sflag:s15] =	ssyncset.done $0x0  }
0x15: {  	[sflag:s15] =	ssyncadd.s32 $0xFFFFFFE0  }
0x16: {  	s19 =	sshrl.u32 s19, $0x3;
	s31 =	rddreg [dreg:$0x1]  }
0x17: {  	s0 =	sadd.s32 s31, s19  }
0x18: {  	[tilespmem:s16], [sflag:$0x2] =	stream.linear.gather [hbm4b:s0+s30], $0x280, $0x38;
	[tilespmem:$0x15220] =	vst v63  }
0x19: {  	_ =	swait.ge [sflag:s15], $0x280  }
0x1a: {  	[sflag:s15] =	ssyncset.done $0x0  }
0x1b: {  	s21 =	sadd.s32 s4, s19;
	[sflag:s15] =	ssyncadd.s32 $0xFFFFFD80  }
0x1c: {  	[tilespmem:s12], [sflag:$0x2] =	stream.linear.gather [hbm4b:s21+s30], $0x280, $0x38;
	[tilespmem:$0x15220] =	vst v63  }
0x1d: {  	_ =	swait.ge [sflag:s15], $0x280  }
0x1e: {  	[sflag:s15] =	ssyncset.done $0x0  }
0x1f: {  	s22 =	simm.s32 $0x520;
	[sflag:s15] =	ssyncadd.s32 $0xFFFFFD80  }
0x20: {  	[tilespmem:s22], [sflag:$0x1] =	stream.indirect.gather [hbm4b:s5+s16], $0x40, s30, s16, $0xb8;
	[tilespmem:$0x15220] =	vst v63  }
0x21: {  	s23 =	simm.s32 $0xD20  }
0x22: {  	[tilespmem:s23], [sflag:$0x1] =	stream.indirect.gather [hbm4b:s6+s17], $0x40, s16, s17, $0xb8;
	[tilespmem:$0x15220] =	vst v63  }
0x23: {  	s24 =	simm.s32 $0xAD20  }
0x24: {  	[tilespmem:s24], [sflag:$0x1] =	stream.indirect.gather [hbm4b:s6+s17], $0x40, s12, s17, $0xb8;
	[tilespmem:$0x15220] =	vst v63  }
0x25: {  	s25 =	simm.s32 $0xA0;
	s26 =	simm.s32 $0x2D20  }
0x26: {  	[tilespmem:s26], [sflag:$0x1] =	stream.indirect.gather [hbm4b:s6+s17], $0x40, s25, s17, $0xb8;
	[tilespmem:$0x15220] =	vst v63  }
0x27: {  	s28 =	simm.s32 $0x320;
	s31 =	simm.s32 $0xCD20  }
0x28: {  	[tilespmem:s31], [sflag:$0x1] =	stream.indirect.gather [hbm4b:s6+s17], $0x40, s28, s17, $0xb8;
	[tilespmem:$0x15220] =	vst v63  }
0x29: {  	s20 =	simm.s32 $0x120;
	s21 =	simm.s32 $0x4D20  }
0x2a: {  	[tilespmem:s21], [sflag:$0x1] =	stream.indirect.gather [hbm4b:s6+s17], $0x40, s20, s17, $0xb8;
	[tilespmem:$0x15220] =	vst v63  }
0x2b: {  	s22 =	simm.s32 $0x3A0;
	s23 =	simm.s32 $0xED20  }
0x2c: {  	[tilespmem:s23], [sflag:$0x1] =	stream.indirect.gather [hbm4b:s6+s17], $0x40, s22, s17, $0xb8;
	[tilespmem:$0x15220] =	vst v63  }
0x2d: {  	s24 =	simm.s32 $0x1A0;
	s25 =	simm.s32 $0x6D20  }
0x2e: {  	[tilespmem:s25], [sflag:$0x1] =	stream.indirect.gather [hbm4b:s6+s17], $0x40, s24, s17, $0xb8;
	[tilespmem:$0x15220] =	vst v63  }
0x2f: {  	s26 =	simm.s32 $0x420;
	s28 =	simm.s32 $0x10D20  }
0x30: {  	[tilespmem:s28], [sflag:$0x1] =	stream.indirect.gather [hbm4b:s6+s17], $0x40, s26, s17, $0xb8;
	[tilespmem:$0x15220] =	vst v63  }
0x31: {  	s31 =	simm.s32 $0x220  }
0x32: {  	[tilespmem:s7], [sflag:$0x1] =	stream.indirect.gather [hbm4b:s6+s17], $0x40, s31, s17, $0xb8;
	[tilespmem:$0x15220] =	vst v63  }
0x33: {  	_ = 	snop  }
0x34: {  	[tilespmem:s1], [sflag:$0x1] =	stream.indirect.gather [hbm4b:s6+s17], $0x40, s11, s17, $0xb8;
	[tilespmem:$0x15220] =	vst v63  }
0x35: {  	_ =	swait.ge [sflag:s2], $0x800  }
0x36: {  	[sflag:s2] =	ssyncset.done $0x0  }
0x37: {  	[sflag:s2] =	ssyncadd.s32 $0xFFFFF800  }
0x38: {  	_ =	swait.ge [sflag:s2], $0x2000  }
0x39: {  	[sflag:s2] =	ssyncset.done $0x0  }
0x3a: {  	[sflag:s2] =	ssyncadd.s32 $0xFFFFE000  }
0x3b: {  	_ =	swait.ge [sflag:s2], $0x2000  }
0x3c: {  	[sflag:s2] =	ssyncset.done $0x0  }
0x3d: {  	[sflag:s2] =	ssyncadd.s32 $0xFFFFE000  }
0x3e: {  	_ =	swait.ge [sflag:s2], $0x2000  }
0x3f: {  	[sflag:s2] =	ssyncset.done $0x0  }
0x40: {  	[sflag:s2] =	ssyncadd.s32 $0xFFFFE000  }
0x41: {  	_ =	swait.ge [sflag:s2], $0x2000  }
0x42: {  	[sflag:s2] =	ssyncset.done $0x0  }
0x43: {  	[sflag:s2] =	ssyncadd.s32 $0xFFFFE000  }
0x44: {  	_ =	swait.ge [sflag:s2], $0x2000  }
0x45: {  	[sflag:s2] =	ssyncset.done $0x0  }
0x46: {  	[sflag:s2] =	ssyncadd.s32 $0xFFFFE000  }
0x47: {  	_ =	swait.ge [sflag:s2], $0x2000  }
0x48: {  	[sflag:s2] =	ssyncset.done $0x0  }
0x49: {  	[sflag:s2] =	ssyncadd.s32 $0xFFFFE000  }
0x4a: {  	_ =	swait.ge [sflag:s2], $0x2000  }
0x4b: {  	[sflag:s2] =	ssyncset.done $0x0  }
0x4c: {  	[sflag:s2] =	ssyncadd.s32 $0xFFFFE000  }
0x4d: {  	_ =	swait.ge [sflag:s2], $0x2000  }
0x4e: {  	[sflag:s2] =	ssyncset.done $0x0  }
0x4f: {  	[sflag:s2] =	ssyncadd.s32 $0xFFFFE000  }
0x50: {  	_ =	swait.ge [sflag:s2], $0x2000  }
0x51: {  	[sflag:s2] =	ssyncset.done $0x0  }
0x52: {  	[sflag:s2] =	ssyncadd.s32 $0xFFFFE000  }
0x53: {  	s29 =	simm.s32 $0xD40;
	_ =	swait.ge [sflag:s2], $0x2000  }
0x54: {  	s21 =	simm.s32 $0x14D11;
	s22 =	simm.s32 $0x14F91;
	[sflag:s2] =	ssyncset.done $0x0  }
0x55: {  	v5 =	vimm.f32 $0.0e+00;
	v6 =	vimm.f32 $0.0e+00;
	s24 =	simm.s32 $0xAD40;
	s25 =	simm.s32 $0x0;
	[sflag:s2] =	ssyncadd.s32 $0xFFFFE000  }
.LBB2_3:
0x56: {  	v11 =	vld [tilespmem:s24+$0xFFFFFFE0]  }
0x57: {  	v12 =	vld [tilespmem:s29+$0xFFFFFFE0]  }
0x58: {  	v13 =	vld [tilespmem:s29+$0xFFFFFFF0]  }
0x59: {  	s20 =	sshll.u32 s25, $0x6;
	v14 =	vld [tilespmem:s24+$0xFFFFFFF0]  }
0x5a: {  	v15 =	vld [tilespmem:s29+$0x0];
	s20 =	sand.u32 $0x3FFFFFC0, s20  }
0x5b: {  	v7 =	vld [tilespmem:s20+$0x520]  }
0x5c: {  	v8 =	vld [tilespmem:s20+$0x530]  }
0x5d: {  	v16 =	vld [tilespmem:s24+$0x0]  }
0x5e: {  	v9 =	vld [tilespmem:s20+$0x540]  }
0x5f: {  	v17 =	vld [tilespmem:s29+$0x10]  }
0x60: {  	v10 =	vld [tilespmem:s20+$0x550]  }
0x61: {  	v18 =	vld [tilespmem:s24+$0x10];
	v12 =	vmul.f32 v12, v7;
	v13 =	vmul.f32 v13, v8  }
0x62: {  	v11 =	vmul.f32 v11, v7;
	v14 =	vmul.f32 v14, v8  }
0x63: {  	v12 =	vadd.f32 v13, v12;
	v13 =	vmul.f32 v15, v9  }
0x64: {  	v11 =	vadd.f32 v14, v11;
	v14 =	vmul.f32 v16, v9  }
0x65: {  	v12 =	vadd.f32 v13, v12;
	v13 =	vmul.f32 v17, v10  }
0x66: {  	v11 =	vadd.f32 v14, v11;
	v14 =	vmul.f32 v18, v10  }
0x67: {  	v12 =	vadd.f32 v13, v12  }
0x68: {  	v11 =	vadd.f32 v14, v11  }
0x69: {  	v13 =	vperm.xlane v12, v0  }
0x6a: {  	v14 =	vperm.xlane v11, v0  }
0x6b: {  	v12 =	vadd.f32 v13, v12  }
0x6c: {  	v11 =	vadd.f32 v14, v11  }
0x6d: {  	v13 =	vperm.xlane v12, v1  }
0x6e: {  	v14 =	vperm.xlane v11, v1  }
0x6f: {  	v12 =	vadd.f32 v13, v12  }
0x70: {  	v11 =	vadd.f32 v14, v11  }
0x71: {  	v13 =	vperm.xlane v12, v2  }
0x72: {  	v14 =	vperm.xlane v11, v2  }
0x73: {  	v13 =	vadd.f32 v13, v12  }
0x74: {  	v14 =	vadd.f32 v14, v11  }
0x75: {  	v11 =	vmov s21;
	v15 =	vperm.xlane v13, v3  }
0x76: {  	s31 =	sand.u32 $0xF, s30;
	v12 =	vmov s22;
	v63 =	vperm.xlane v14, v3  }
0x77: {  	v13 =	vadd.f32 v15, v13;
	v15 =	vmov s31  }
0x78: {  	p0 =	sne.s32 s31, $0xF;
	v14 =	vadd.f32 v63, v14;
	vm0 =	veq.s32 v15, v4  }
0x79: {  	s20 =	simm.s32 @!p0 $0x0;
	v6 =	vsel vm0, v13, v6  }
0x7a: {  	s26 =	simm.s32 $0x4;
	v5 =	vsel vm0, v14, v5;
	[tilespmem:v11+s20+$0x0 ss:$0x1] =	vst.idx.msk @!p0 $0xffff, v6  }
0x7b: {  	s28 =	sadd.s32 $0x40, s24;
	s23 =	smov.u32 s29;
	[tilespmem:v12+s20+$0x0 ss:$0x1] =	vst.idx.msk @!p0 $0xffff, v5;
	s20 =	smov.u32 s30  }
.LBB2_4:
0x7c: {  	v13 =	vld [tilespmem:s28+$0xFFFFFFE0];
	s23 =	sadd.s32 $0x40, s23;
	s31 =	smov.u32 s26  }
0x7d: {  	v14 =	vld [tilespmem:s23+$0xFFFFFFE0]  }
0x7e: {  	v15 =	vld [tilespmem:s23+$0xFFFFFFF0]  }
0x7f: {  	s26 =	sadd.s32 $0x4, s26;
	v16 =	vld [tilespmem:s28+$0xFFFFFFF0]  }
0x80: {  	p0 =	sne.s32 s26, $0x50;
	v17 =	vld [tilespmem:s23+$0x0]  }
0x81: {  	v18 =	vld [tilespmem:s28+$0x0]  }
0x82: {  	v19 =	vld [tilespmem:s23+$0x10]  }
0x83: {  	v14 =	vmul.f32 v14, v7;
	v15 =	vmul.f32 v15, v8;
	v20 =	vld [tilespmem:s28+$0x10]  }
0x84: {  	v13 =	vmul.f32 v13, v7;
	v16 =	vmul.f32 v16, v8  }
0x85: {  	v14 =	vadd.f32 v15, v14;
	v15 =	vmul.f32 v17, v9  }
0x86: {  	v13 =	vadd.f32 v16, v13;
	v16 =	vmul.f32 v18, v9  }
0x87: {  	v14 =	vadd.f32 v15, v14;
	v15 =	vmul.f32 v19, v10  }
0x88: {  	v13 =	vadd.f32 v16, v13;
	v16 =	vmul.f32 v20, v10  }
0x89: {  	v14 =	vadd.f32 v15, v14  }
0x8a: {  	v13 =	vadd.f32 v16, v13  }
0x8b: {  	v15 =	vperm.xlane v14, v0  }
0x8c: {  	v16 =	vperm.xlane v13, v0  }
0x8d: {  	v14 =	vadd.f32 v15, v14  }
0x8e: {  	v13 =	vadd.f32 v16, v13  }
0x8f: {  	v15 =	vperm.xlane v14, v1  }
0x90: {  	v16 =	vperm.xlane v13, v1  }
0x91: {  	v14 =	vadd.f32 v15, v14  }
0x92: {  	v13 =	vadd.f32 v16, v13  }
0x93: {  	v15 =	vperm.xlane v14, v2  }
0x94: {  	v16 =	vperm.xlane v13, v2  }
0x95: {  	v14 =	vadd.f32 v15, v14  }
0x96: {  	v13 =	vadd.f32 v16, v13  }
0x97: {  	s20 =	sadd.s32 $0x1, s20;
	v15 =	vperm.xlane v14, v3  }
0x98: {  	s0 =	sand.u32 $0xF, s20;
	v16 =	vperm.xlane v13, v3  }
.Ltmp0:
0x99: {  	v14 =	vadd.f32 v15, v14;
	v15 =	vmov s0;
	(pc) =	sbr.rel @p0 .LBB2_4-.Ltmp0, $4  }
0x9a: {  	p1 =	sne.s32 s0, $0xF;
	v13 =	vadd.f32 v16, v13;
	vm0 =	veq.s32 v15, v4  }
0x9b: {  	s0 =	sshra.s32 @!p1 s31, $0x2;
	v6 =	vsel vm0, v14, v6  }
0x9c: {  	v5 =	vsel vm0, v13, v5;
	[tilespmem:v11+s0+$0x0 ss:$0x1] =	vst.idx.msk @!p1 $0xffff, v6  }
0x9d: {  	s28 =	sadd.s32 $0x40, s28;
	[tilespmem:v12+s0+$0x0 ss:$0x1] =	vst.idx.msk @!p1 $0xffff, v5  }
0x9e: {  	s25 =	sadd.s32 $0x1, s25  }
0x9f: {  	p0 =	sne.s32 s25, $0x20  }
.Ltmp1:
0xa0: {  	_ = 	snop;
	(pc) =	sbr.rel @p0 .LBB2_3-.Ltmp1, $3  }
0xa1: {  	_ =	sdelay $0x1  }
0xa2: {  	s30 =	sadd.s32 $0x14, s30;
	s21 =	sadd.s32 $0x14, s21  }
0xa3: {  	s22 =	sadd.s32 $0x14, s22;
	s29 =	sadd.s32 $0x500, s29;
	s24 =	sadd.s32 $0x500, s24  }
0xa4: {  	s0 =	sadd.s32 s8, s19  }
0xa5: {  	[hbm4b:s0+s3] =	stream.linear.scatter [tilespmem:s13], [sflag:$0x2], $0x280, $0x38;
	[tilespmem:$0x15220] =	vst v63  }
0xa6: {  	s18 =	sadd.s32 $0x1, s18;
	_ =	swait.ge [sflag:s15], $0x280  }
0xa7: {  	p0 =	sne.s32 s18, $0x10;
	[sflag:s15] =	ssyncset.done $0x0  }
.Ltmp2:
0xa8: {  	s31 =	sadd.s32 s9, s19;
	[sflag:s15] =	ssyncadd.s32 $0xFFFFFD80;
	(pc) =	sbr.rel @p0 .LBB2_2-.Ltmp2, $4  }
0xa9: {  	[hbm4b:s31+s3] =	stream.linear.scatter [tilespmem:s14], [sflag:$0x2], $0x280, $0x38;
	[tilespmem:$0x15220] =	vst v63  }
0xaa: {  	_ =	swait.ge [sflag:s15], $0x280  }
0xab: {  	[sflag:s15] =	ssyncset.done $0x0  }
0xac: {  	[sflag:s15] =	ssyncadd.s32 $0xFFFFFD80  }
0xad: {  	s18 =	rddreg [dreg:$0x5]  }
0xae: {  	s0 =	rddreg [dreg:$0x4];
	s18 =	sadd.s32 $0x1, s18  }
0xaf: {  	p0 =	sne.s32 s18, s0  }
.Ltmp3:
0xb0: {  	_ = 	snop;
	(pc) =	sbr.rel @p0 .LBB2_1-.Ltmp3, $1  }
0xb1: {  	_ =	sdelay $0x3  }
0xb2: {  	_ =	sfence.sel $0x180000  }
0xb3: {  	[bflag:$0x0] =	sbarrier.arrive $0xFFFF  }
0xb4: {  	_ =	strace $0x90000047  }
0xb5: {  	s0 =	stileid.u32;
	[bflag:$0x2] =	sbarrier.arrive $0xFFFF  }
0xb6: {  	p0 =	sne.s32 s0, $0x0;
	s0 =	rddreg [dreg:$0x3]  }
0xb7: {  	s0 =	sadd.s32 @!p0 $0x100000, s0  }
0xb8: {  	[sflag:s0] =	ssyncadd.tile.s32 @!p0 $0x1;
	_ =	shalt  }
.Lfunc_end2:
_tile_overlayer_lowered:
.L_overlay_start_2:
0xb9: {  	(tag) =	ssettag $0x2  }
0xba: {  	s0 =	rddreg [dreg:$0x0];
	s2 =	stileid.u32  }
0xbb: {  	s1 =	rddreg [dreg:$0x1];
	p0 =	sne.s32 s2, $0x0  }
0xbc: {  	s3 =	rddreg [dreg:$0x2];
	[bflag:$0x3] =	sbarrier.arrive $0xFFFF;
	s2 =	simm.s32 @!p0 $0x1C02  }
0xbd: {  	[timem:s3], [sflag:s2] =	dma.local @!p0 [hbm:s0], s1  }
0xbe: {  	s0 =	simm.s32 @!p0 $0x2  }
0xbf: {  	_ =	swait.ge @!p0 [sflag:s0], s1  }
0xc0: {  	s1 =	ssub.s32 @!p0 $0x0, s1;
	[sflag:s0] =	ssyncset.done @!p0 $0x0  }
0xc1: {  	[sflag:s0] =	ssyncadd.s32 @!p0 s1  }
0xc2: {  	[bflag:$0x3] =	sbarrier.arrive $0xFFFF  }
0xc3: {  	_ =	shalt  }

</sc_bundles>
